<compile_context>
chip_gen: v7x
topology: tpu7x:2x2x1
jax: 0.10.2.dev20260603
libtpu: 0.0.44.dev20260713+nightly
codegen_flags: <defaults>
</compile_context>

<pallas_src>
import functools

import jax
import jax.numpy as jnp
from jax import lax
from jax.experimental import pallas as pl
from jax.experimental.pallas import tpu as pltpu
from jax.experimental.pallas import tpu_sc as plsc

B, S, D, V = 1024, 50, 64, 1000
PAD_ID = 0
INTEREST_ID = 1

_NC, _NS, _L = 2, 16, 16
_NW = _NC * _NS
_RPW = B // _NW
_GROUPS = _RPW // _L
_VPAD = 1024

_BB = 256
_SG = 50
_INV_SQRT_2PI = 0.3989422804014327


def _tc_weights_body(xT_ref, idsT_ref, tgT_ref, claT_ref, wq_ref, wk_ref,
                     wv_ref, bq_ref, bk_ref, th_ref, wT_ref, sc_ref):
    fs0, fs1_1, fs1_2, fs2_1, fs2_2 = (th_ref[0], th_ref[1], th_ref[2],
                                       th_ref[3], th_ref[4])
    w_p_g = th_ref[5]
    mu0, sigma0 = th_ref[6], th_ref[7]
    mu1_1, sigma1_1 = th_ref[8], th_ref[9]
    mu1_2, sigma1_2 = th_ref[10], th_ref[11]
    mu2, sigma2, p2, bv0 = th_ref[12], th_ref[13], th_ref[14], th_ref[15]

    wq = wq_ref[...]
    wv = wv_ref[...]
    bias_col = jnp.transpose(bq_ref[...] + bk_ref[...], (1, 0))
    kT = jnp.dot(wk_ref[...], xT_ref[0],
                 preferred_element_type=jnp.float32) + bias_col
    kT_g = jnp.concatenate([kT] * _SG, axis=1)
    for g0 in range(0, S, _SG):
        xs = jnp.concatenate([xT_ref[g0 + j] for j in range(_SG)], axis=1)
        q = jnp.dot(wq, xs, preferred_element_type=jnp.float32)
        f = jnp.tanh(q + kT_g)
        row = jnp.dot(wv, f, preferred_element_type=jnp.float32) + bv0
        for j in range(_SG):
            sc_ref[pl.ds(g0 + j, 1), :] = row[:, j * _BB:(j + 1) * _BB]

    scores = sc_ref[...]
    ids = idsT_ref[...]
    mask = (ids != PAD_ID) & (ids != INTEREST_ID)
    s_masked = jnp.where(mask, scores, -jnp.inf)
    m = jnp.max(s_masked, axis=0, keepdims=True)
    e = jnp.where(mask, jnp.exp(s_masked - m), 0.0)
    sm = e / jnp.sum(e, axis=0, keepdims=True)

    tg = tgT_ref[...]
    cl = claT_ref[...]
    pad = jnp.float32(180.0)
    cla0 = jnp.where(cl != 0, pad, tg)
    cla1 = jnp.where(cl != 1, pad, tg)
    cla2 = jnp.where(cl != 2, pad, tg)

    inv_s0 = 1.0 / sigma0
    inv_s11 = 1.0 / sigma1_1
    inv_s12 = 1.0 / sigma1_2
    inv_s2 = 1.0 / sigma2
    pg = (fs0 * inv_s0 * _INV_SQRT_2PI) * jnp.exp(
        -0.5 * ((cla0 - mu0) * inv_s0) ** 2)
    pg = pg + (fs1_1 * inv_s11 * _INV_SQRT_2PI) * jnp.exp(
        -0.5 * ((cla1 - mu1_1) * inv_s11) ** 2)
    pg = pg + (fs1_2 * inv_s12 * _INV_SQRT_2PI) * jnp.exp(
        -0.5 * ((cla1 - mu1_2) * inv_s12) ** 2)
    pg = pg + (fs2_1 * inv_s2 * _INV_SQRT_2PI) * jnp.exp(
        -0.5 * ((cla2 - mu2) * inv_s2) ** 2)
    pg = pg + fs2_2 * jnp.exp(p2 * jnp.log(cla2))

    pg_full = jnp.concatenate([jnp.zeros((1, _BB), jnp.float32), pg], axis=0)
    wT_ref[...] = (1.0 - w_p_g) * sm + w_p_g * pg_full


def _tc_weights(xT, idsT, tgT, claT, wq, wk, wv, bq2, bk2, th):
    grid = (B // _BB,)
    return pl.pallas_call(
        _tc_weights_body,
        grid=grid,
        in_specs=[
            pl.BlockSpec((S, D, _BB), lambda i: (0, 0, i)),
            pl.BlockSpec((S, _BB), lambda i: (0, i)),
            pl.BlockSpec((S - 1, _BB), lambda i: (0, i)),
            pl.BlockSpec((S - 1, _BB), lambda i: (0, i)),
            pl.BlockSpec((D, D), lambda i: (0, 0)),
            pl.BlockSpec((D, D), lambda i: (0, 0)),
            pl.BlockSpec((1, D), lambda i: (0, 0)),
            pl.BlockSpec((1, D), lambda i: (0, 0)),
            pl.BlockSpec((1, D), lambda i: (0, 0)),
            pl.BlockSpec(memory_space=pltpu.SMEM),
        ],
        out_specs=pl.BlockSpec((S, _BB), lambda i: (0, i)),
        out_shape=jax.ShapeDtypeStruct((S, B), jnp.float32),
        scratch_shapes=[pltpu.VMEM((S, _BB), jnp.float32)],
    )(xT, idsT, tgT, claT, wq, wk, wv, bq2, bk2, th)


def _sc_scatter_body(idsT_hbm, wT_hbm, out_hbm, ids_v, w_v, acc, sem):
    wid = lax.axis_index("s") * _NC + lax.axis_index("c")
    col0 = wid * _RPW
    blk0 = (wid // 4) * 128
    my0 = (wid % 4) * _RPW
    c1 = pltpu.async_copy(idsT_hbm.at[:, pl.ds(blk0, 128)], ids_v, sem)
    c2 = pltpu.async_copy(wT_hbm.at[:, pl.ds(blk0, 128)], w_v, sem)

    zeros16 = jnp.zeros((_L,), jnp.float32)

    def _zero(i, c):
        r = i // 8
        off = (i % 8) * 128
        for u in range(8):
            acc[r, pl.ds(off + u * _L, _L)] = zeros16
        return c

    lax.fori_loop(0, _RPW * _VPAD // (8 * _L), _zero, 0)
    c1.wait()
    c2.wait()

    lane = lax.iota(jnp.int32, _L)
    for g in range(_GROUPS):
        rows = lane + g * _L

        def _scat(s, c, rows=rows, g=g):
            ids16 = ids_v[s, pl.ds(my0 + g * _L, _L)]
            w16 = w_v[s, pl.ds(my0 + g * _L, _L)]
            plsc.addupdate_scatter(acc, [rows, ids16], w16)
            return c

        lax.fori_loop(0, S, _scat, 0)

    pltpu.sync_copy(acc, out_hbm.at[pl.ds(col0, _RPW), :])


@functools.cache
def _sc_scatter():
    return pl.kernel(
        _sc_scatter_body,
        out_type=jax.ShapeDtypeStruct((B, _VPAD), jnp.float32),
        mesh=plsc.VectorSubcoreMesh(core_axis_name="c", subcore_axis_name="s",
                                    num_cores=_NC, num_subcores=_NS),
        scratch_types=[
            pltpu.VMEM((S, 128), jnp.int32),
            pltpu.VMEM((S, 128), jnp.float32),
            pltpu.VMEM((_RPW, _VPAD), jnp.float32),
            pltpu.SemaphoreType.DMA,
        ],
        compiler_params=pltpu.CompilerParams(needs_layout_passes=False),
    )


def kernel(x, x_ids, time_gap, cla, Wq, bq, Wk, bk, Wv, bv, theta):
    ids = x_ids.astype(jnp.int32)
    xT = jnp.transpose(x, (1, 2, 0))
    idsT = ids.T
    tgT = time_gap.astype(jnp.float32).T
    claT = cla.astype(jnp.int32).T
    th = jnp.stack([
        theta["fs0"], theta["fs1_1"], theta["fs1_2"], theta["fs2_1"],
        theta["fs2_2"], theta["w_p_g"], theta["mu0"], theta["sigma0"],
        theta["mu1_1"], theta["sigma1_1"], theta["mu1_2"], theta["sigma1_2"],
        theta["mu2"], theta["sigma2"], theta["p2"], bv[0],
    ]).astype(jnp.float32)

    wT = _tc_weights(xT, idsT, tgT, claT, Wq, Wk, Wv, bq[None, :],
                     bk[None, :], th)
    return _sc_scatter()(idsT, wT)[:, :V]

# --- scband reference (transcript-rebuilt; emitter-appended) ---
"""Pipeline reference for scband-repeat-decoder-add-43636867727568 (READ-ONLY COPY).

The authoritative reference and input builder live on the scoring server;
editing this copy changes nothing except your own understanding.
"""

import jax, jax.numpy as jnp
import numpy as np

B, S, D, V = 1024, 50, 64, 1000
PAD_ID = 0
INTEREST_ID = 1

def one_hot_scatter(ids, vocab):
    b, l = ids.shape
    oh = jnp.zeros((b, l, vocab), dtype=jnp.float32)
    return oh.at[jnp.arange(b)[:, None], jnp.arange(l)[None, :], ids].set(1.0)

def norm_pdf(x, mu, sigma):
    return jnp.exp(-0.5 * ((x - mu) / sigma) ** 2) / (sigma * jnp.sqrt(2.0 * jnp.pi))

def setup_inputs(seed: int = 0):
    key = jax.random.key(seed)
    ks = jax.random.split(key, 8)
    x = jax.random.normal(ks[0], (B, S, D), dtype=jnp.float32)
    x_ids = jax.random.randint(ks[1], (B, S), 0, V)
    time_gap = jax.random.uniform(ks[2], (B, S - 1), dtype=jnp.float32, minval=0.01, maxval=1.0)
    cla = jax.random.randint(ks[3], (B, S - 1), 0, 4)
    Wq = jax.random.normal(ks[4], (D, D), dtype=jnp.float32) * 0.05
    bq = jnp.zeros((D,), jnp.float32)
    Wk = jax.random.normal(ks[5], (D, D), dtype=jnp.float32) * 0.05
    bk = jnp.zeros((D,), jnp.float32)
    Wv = jax.random.normal(ks[6], (1, D), dtype=jnp.float32) * 0.05
    bv = jnp.zeros((1,), jnp.float32)
    theta = {"fs0": jnp.float32(1.0), "fs1_1": jnp.float32(1.0), "fs1_2": jnp.float32(1.0), "fs2_1": jnp.float32(1.0), "fs2_2": jnp.float32(1.0), "w_p_g": jnp.float32(0.5), "mu0": jnp.float32(30.0), "sigma0": jnp.float32(1.0), "mu1_1": jnp.float32(30.0), "sigma1_1": jnp.float32(1.0), "mu1_2": jnp.float32(60.0), "sigma1_2": jnp.float32(1.0), "mu2": jnp.float32(30.0), "sigma2": jnp.float32(1.0), "p2": jnp.float32(-0.5)}
    return {"x": x, "x_ids": x_ids, "time_gap": time_gap, "cla": cla, "Wq": Wq, "bq": bq, "Wk": Wk, "bk": bk, "Wv": Wv, "bv": bv, "theta": theta}

def reference(x, x_ids, time_gap, cla, Wq, bq, Wk, bk, Wv, bv, theta):
    # mask over pad and interest ids
    mask = (x_ids != PAD_ID) & (x_ids != INTEREST_ID)
    # build_map: scatter one-hot over vocab (memory-bound)
    onehot = one_hot_scatter(x_ids, V)
    q = x @ Wq.T + bq
    k = x[:, 0:1, :] @ Wk.T + bk
    features = jnp.tanh(q + k)
    scores = (features @ Wv.T + bv)[..., 0]
    scores = jnp.where(mask, scores, -jnp.inf)
    scores = jax.nn.softmax(scores, axis=-1)
    p_repeat = jnp.einsum('bs,bsv->bv', scores, onehot)
    # second one-hot over shifted ids
    onehot2 = one_hot_scatter(x_ids[:, 1:], V)
    pad = 180.0  # tr_te == 'train'
    cla0 = jnp.where(cla != 0, pad, time_gap)
    cla1 = jnp.where(cla != 1, pad, time_gap)
    cla2 = jnp.where(cla != 2, pad, time_gap)
    pg0 = theta["fs0"] * norm_pdf(cla0, theta["mu0"], theta["sigma0"])
    pg1 = theta["fs1_1"] * norm_pdf(cla1, theta["mu1_1"], theta["sigma1_1"]) + theta["fs1_2"] * norm_pdf(cla1, theta["mu1_2"], theta["sigma1_2"])
    pg2 = theta["fs2_1"] * norm_pdf(cla2, theta["mu2"], theta["sigma2"]) + theta["fs2_2"] * jnp.power(cla2, theta["p2"])
    g0 = jnp.einsum('bs,bsv->bv', pg0, onehot2)
    g1 = jnp.einsum('bs,bsv->bv', pg1, onehot2)
    g2 = jnp.einsum('bs,bsv->bv', pg2, onehot2)
    return (1.0 - theta["w_p_g"]) * p_repeat + theta["w_p_g"] * (g0 + g1 + g2)

if __name__ == "__main__":
    import jax
    _d = setup_inputs()
    print(jax.jit(kernel)(*tuple(_d.values())))

</pallas_src>

<mosaic_0001>
#map = affine_map<(d0, d1) -> (0, 0)>
module attributes {stable_mosaic.version = 14 : i64} {
  func.func @_sc_scatter_body(%arg0: i32, %arg1: i32, %arg2: memref<50x1024xi32, #tpu.memory_space<hbm>>, %arg3: memref<50x1024xf32, #tpu.memory_space<hbm>>, %arg4: memref<1024x1024xf32, #tpu.memory_space<hbm>>, %arg5: memref<50x128xi32, #tpu.memory_space<vmem>>, %arg6: memref<50x128xf32, #tpu.memory_space<vmem>>, %arg7: memref<32x1024xf32, #tpu.memory_space<vmem>>, %arg8: memref<!tpu.dma_semaphore, #tpu.memory_space<semaphore_mem>>) attributes {dimension_semantics = [#tpu.dimension_semantics<core_parallel>, #tpu.dimension_semantics<subcore_parallel>], iteration_bounds = array<i64: 2, 16>, scalar_prefetch = 0 : i64, scratch_operands = 4 : i64, tpu.core_type = #tpu.core_type<sc_vector_subcore>, window_params = [{transform_indices = #map}, {transform_indices = #map}, {transform_indices = #map}]} {
    %mul3A = arith.constant 2 : i32
    %mul3A_0 = arith.muli %arg1, %mul3A : i32
    %add3A = arith.addi %mul3A_0, %arg0 : i32
    %mul3A_1 = arith.constant 32 : i32
    %mul3A_2 = arith.muli %add3A, %mul3A_1 : i32
    %jit3A = arith.constant 4 : i32
    %div3A = arith.divsi %add3A, %jit3A : i32
    %sign3A = arith.constant 0 : i32
    %sign3A_3 = arith.cmpi sgt, %add3A, %sign3A : i32
    %sign3A_4 = arith.extui %sign3A_3 : i1 to i32
    %sign3A_5 = arith.constant 0 : i32
    %sign3A_6 = arith.cmpi slt, %add3A, %sign3A_5 : i32
    %sign3A_7 = arith.extui %sign3A_6 : i1 to i32
    %sign3A_8 = arith.subi %sign3A_4, %sign3A_7 : i32
    %sign3A_9 = arith.constant 0 : i32
    %sign3A_10 = arith.cmpi sgt, %jit3A, %sign3A_9 : i32
    %sign3A_11 = arith.extui %sign3A_10 : i1 to i32
    %sign3A_12 = arith.constant 0 : i32
    %sign3A_13 = arith.cmpi slt, %jit3A, %sign3A_12 : i32
    %sign3A_14 = arith.extui %sign3A_13 : i1 to i32
    %sign3A_15 = arith.subi %sign3A_11, %sign3A_14 : i32
    %ne3A = arith.cmpi ne, %sign3A_8, %sign3A_15 : i32
    %rem3A = arith.remsi %add3A, %jit3A : i32
    %ne3A_16 = arith.constant 0 : i32
    %ne3A_17 = arith.cmpi ne, %rem3A, %ne3A_16 : i32
    %and3A = arith.andi %ne3A, %ne3A_17 : i1
    %sub3A = arith.constant 1 : i32
    %sub3A_18 = arith.subi %div3A, %sub3A : i32
    %select_n3A = arith.select %and3A, %sub3A_18, %div3A : i32
    %mul3A_19 = arith.constant 128 : i32
    %mul3A_20 = arith.muli %select_n3A, %mul3A_19 : i32
    %jit3A_21 = arith.constant 4 : i32
    %eq3A = arith.constant 0 : i32
    %eq3A_22 = arith.cmpi eq, %jit3A_21, %eq3A : i32
    %jit3A_23 = arith.constant 1 : i32
    %select_n3A_24 = arith.select %eq3A_22, %jit3A_23, %jit3A_21 : i32
    %rem3A_25 = arith.remsi %add3A, %select_n3A_24 : i32
    %ne3A_26 = arith.constant 0 : i32
    %ne3A_27 = arith.cmpi ne, %rem3A_25, %ne3A_26 : i32
    %lt3A = arith.constant 0 : i32
    %lt3A_28 = arith.cmpi slt, %rem3A_25, %lt3A : i32
    %lt3A_29 = arith.constant 0 : i32
    %lt3A_30 = arith.cmpi slt, %select_n3A_24, %lt3A_29 : i32
    %ne3A_31 = arith.xori %lt3A_28, %lt3A_30 : i1
    %and3A_32 = arith.andi %ne3A_31, %ne3A_27 : i1
    %add3A_33 = arith.addi %rem3A_25, %select_n3A_24 : i32
    %select_n3A_34 = arith.select %and3A_32, %add3A_33, %rem3A_25 : i32
    %mul3A_35 = arith.constant 32 : i32
    %mul3A_36 = arith.muli %select_n3A_34, %mul3A_35 : i32
    %dma_start3A = arith.constant 0 : i32
    %dma_start3A_37 = tpu.memref_slice %arg2[%dma_start3A, %mul3A_20] : memref<50x1024xi32, #tpu.memory_space<hbm>> -> memref<50x128xi32, #tpu.memory_space<hbm>>
    %dma_start3A_38 = arith.constant 0 : i32
    %dma_start3A_39 = tpu.memref_slice %arg2[%dma_start3A_38, %mul3A_20] : memref<50x1024xi32, #tpu.memory_space<hbm>> -> memref<50x128xi32, #tpu.memory_space<hbm>>
    tpu.enqueue_dma source(%dma_start3A_39 : memref<50x128xi32, #tpu.memory_space<hbm>>) target(%arg5 : memref<50x128xi32, #tpu.memory_space<vmem>>) target_semaphore(%arg8 : memref<!tpu.dma_semaphore, #tpu.memory_space<semaphore_mem>>)
    %dma_start3A_40 = arith.constant 0 : i32
    %dma_start3A_41 = tpu.memref_slice %arg3[%dma_start3A_40, %mul3A_20] : memref<50x1024xf32, #tpu.memory_space<hbm>> -> memref<50x128xf32, #tpu.memory_space<hbm>>
    %dma_start3A_42 = arith.constant 0 : i32
    %dma_start3A_43 = tpu.memref_slice %arg3[%dma_start3A_42, %mul3A_20] : memref<50x1024xf32, #tpu.memory_space<hbm>> -> memref<50x128xf32, #tpu.memory_space<hbm>>
    tpu.enqueue_dma source(%dma_start3A_43 : memref<50x128xf32, #tpu.memory_space<hbm>>) target(%arg6 : memref<50x128xf32, #tpu.memory_space<vmem>>) target_semaphore(%arg8 : memref<!tpu.dma_semaphore, #tpu.memory_space<semaphore_mem>>)
    %broadcast_in_dim3A = arith.constant 0.000000e+00 : f32
    %broadcast_in_dim3A_44 = vector.broadcast %broadcast_in_dim3A : f32 to vector<16xf32>
    %scan3A = arith.constant 0 : i32
    %scan3A_45 = arith.constant 0 : i32
    %scan3A_46 = arith.constant 256 : i32
    %scan3A_47 = arith.addi %scan3A_45, %scan3A_46 : i32
    %scan3A_48 = arith.constant 1 : i32
    scf.for %scan3A_75 = %scan3A_45 to %scan3A_47 step %scan3A_48  : i32 {
      %jit3A_76 = arith.constant 8 : i32
      %div3A_77 = arith.divsi %scan3A_75, %jit3A_76 : i32
      %sign3A_78 = arith.constant 0 : i32
      %sign3A_79 = arith.cmpi sgt, %scan3A_75, %sign3A_78 : i32
      %sign3A_80 = arith.extui %sign3A_79 : i1 to i32
      %sign3A_81 = arith.constant 0 : i32
      %sign3A_82 = arith.cmpi slt, %scan3A_75, %sign3A_81 : i32
      %sign3A_83 = arith.extui %sign3A_82 : i1 to i32
      %sign3A_84 = arith.subi %sign3A_80, %sign3A_83 : i32
      %sign3A_85 = arith.constant 0 : i32
      %sign3A_86 = arith.cmpi sgt, %jit3A_76, %sign3A_85 : i32
      %sign3A_87 = arith.extui %sign3A_86 : i1 to i32
      %sign3A_88 = arith.constant 0 : i32
      %sign3A_89 = arith.cmpi slt, %jit3A_76, %sign3A_88 : i32
      %sign3A_90 = arith.extui %sign3A_89 : i1 to i32
      %sign3A_91 = arith.subi %sign3A_87, %sign3A_90 : i32
      %ne3A_92 = arith.cmpi ne, %sign3A_84, %sign3A_91 : i32
      %rem3A_93 = arith.remsi %scan3A_75, %jit3A_76 : i32
      %ne3A_94 = arith.constant 0 : i32
      %ne3A_95 = arith.cmpi ne, %rem3A_93, %ne3A_94 : i32
      %and3A_96 = arith.andi %ne3A_92, %ne3A_95 : i1
      %sub3A_97 = arith.constant 1 : i32
      %sub3A_98 = arith.subi %div3A_77, %sub3A_97 : i32
      %select_n3A_99 = arith.select %and3A_96, %sub3A_98, %div3A_77 : i32
      %jit3A_100 = arith.constant 8 : i32
      %eq3A_101 = arith.constant 0 : i32
      %eq3A_102 = arith.cmpi eq, %jit3A_100, %eq3A_101 : i32
      %jit3A_103 = arith.constant 1 : i32
      %select_n3A_104 = arith.select %eq3A_102, %jit3A_103, %jit3A_100 : i32
      %rem3A_105 = arith.remsi %scan3A_75, %select_n3A_104 : i32
      %ne3A_106 = arith.constant 0 : i32
      %ne3A_107 = arith.cmpi ne, %rem3A_105, %ne3A_106 : i32
      %lt3A_108 = arith.constant 0 : i32
      %lt3A_109 = arith.cmpi slt, %rem3A_105, %lt3A_108 : i32
      %lt3A_110 = arith.constant 0 : i32
      %lt3A_111 = arith.cmpi slt, %select_n3A_104, %lt3A_110 : i32
      %ne3A_112 = arith.xori %lt3A_109, %lt3A_111 : i1
      %and3A_113 = arith.andi %ne3A_112, %ne3A_107 : i1
      %add3A_114 = arith.addi %rem3A_105, %select_n3A_104 : i32
      %select_n3A_115 = arith.select %and3A_113, %add3A_114, %rem3A_105 : i32
      %mul3A_116 = arith.constant 128 : i32
      %mul3A_117 = arith.muli %select_n3A_115, %mul3A_116 : i32
      %add3A_118 = arith.constant 0 : i32
      %add3A_119 = arith.addi %mul3A_117, %add3A_118 : i32
      %swap3A = arith.index_cast %select_n3A_99 : i32 to index
      %swap3A_120 = arith.index_cast %add3A_119 : i32 to index
      %swap3A_121 = tpu.vector_load %arg7[%swap3A, %swap3A_120] {strides = array<i32>} : memref<32x1024xf32, #tpu.memory_space<vmem>>, vector<16xf32>,
      tpu.vector_store %arg7[%swap3A, %swap3A_120], %broadcast_in_dim3A_44 {strides = array<i32>} : memref<32x1024xf32, #tpu.memory_space<vmem>>, vector<16xf32>,
      %add3A_122 = arith.constant 16 : i32
      %add3A_123 = arith.addi %mul3A_117, %add3A_122 : i32
      %swap3A_124 = arith.index_cast %select_n3A_99 : i32 to index
      %swap3A_125 = arith.index_cast %add3A_123 : i32 to index
      %swap3A_126 = tpu.vector_load %arg7[%swap3A_124, %swap3A_125] {strides = array<i32>} : memref<32x1024xf32, #tpu.memory_space<vmem>>, vector<16xf32>,
      tpu.vector_store %arg7[%swap3A_124, %swap3A_125], %broadcast_in_dim3A_44 {strides = array<i32>} : memref<32x1024xf32, #tpu.memory_space<vmem>>, vector<16xf32>,
      %add3A_127 = arith.constant 32 : i32
      %add3A_128 = arith.addi %mul3A_117, %add3A_127 : i32
      %swap3A_129 = arith.index_cast %select_n3A_99 : i32 to index
      %swap3A_130 = arith.index_cast %add3A_128 : i32 to index
      %swap3A_131 = tpu.vector_load %arg7[%swap3A_129, %swap3A_130] {strides = array<i32>} : memref<32x1024xf32, #tpu.memory_space<vmem>>, vector<16xf32>,
      tpu.vector_store %arg7[%swap3A_129, %swap3A_130], %broadcast_in_dim3A_44 {strides = array<i32>} : memref<32x1024xf32, #tpu.memory_space<vmem>>, vector<16xf32>,
      %add3A_132 = arith.constant 48 : i32
      %add3A_133 = arith.addi %mul3A_117, %add3A_132 : i32
      %swap3A_134 = arith.index_cast %select_n3A_99 : i32 to index
      %swap3A_135 = arith.index_cast %add3A_133 : i32 to index
      %swap3A_136 = tpu.vector_load %arg7[%swap3A_134, %swap3A_135] {strides = array<i32>} : memref<32x1024xf32, #tpu.memory_space<vmem>>, vector<16xf32>,
      tpu.vector_store %arg7[%swap3A_134, %swap3A_135], %broadcast_in_dim3A_44 {strides = array<i32>} : memref<32x1024xf32, #tpu.memory_space<vmem>>, vector<16xf32>,
      %add3A_137 = arith.constant 64 : i32
      %add3A_138 = arith.addi %mul3A_117, %add3A_137 : i32
      %swap3A_139 = arith.index_cast %select_n3A_99 : i32 to index
      %swap3A_140 = arith.index_cast %add3A_138 : i32 to index
      %swap3A_141 = tpu.vector_load %arg7[%swap3A_139, %swap3A_140] {strides = array<i32>} : memref<32x1024xf32, #tpu.memory_space<vmem>>, vector<16xf32>,
      tpu.vector_store %arg7[%swap3A_139, %swap3A_140], %broadcast_in_dim3A_44 {strides = array<i32>} : memref<32x1024xf32, #tpu.memory_space<vmem>>, vector<16xf32>,
      %add3A_142 = arith.constant 80 : i32
      %add3A_143 = arith.addi %mul3A_117, %add3A_142 : i32
      %swap3A_144 = arith.index_cast %select_n3A_99 : i32 to index
      %swap3A_145 = arith.index_cast %add3A_143 : i32 to index
      %swap3A_146 = tpu.vector_load %arg7[%swap3A_144, %swap3A_145] {strides = array<i32>} : memref<32x1024xf32, #tpu.memory_space<vmem>>, vector<16xf32>,
      tpu.vector_store %arg7[%swap3A_144, %swap3A_145], %broadcast_in_dim3A_44 {strides = array<i32>} : memref<32x1024xf32, #tpu.memory_space<vmem>>, vector<16xf32>,
      %add3A_147 = arith.constant 96 : i32
      %add3A_148 = arith.addi %mul3A_117, %add3A_147 : i32
      %swap3A_149 = arith.index_cast %select_n3A_99 : i32 to index
      %swap3A_150 = arith.index_cast %add3A_148 : i32 to index
      %swap3A_151 = tpu.vector_load %arg7[%swap3A_149, %swap3A_150] {strides = array<i32>} : memref<32x1024xf32, #tpu.memory_space<vmem>>, vector<16xf32>,
      tpu.vector_store %arg7[%swap3A_149, %swap3A_150], %broadcast_in_dim3A_44 {strides = array<i32>} : memref<32x1024xf32, #tpu.memory_space<vmem>>, vector<16xf32>,
      %add3A_152 = arith.constant 112 : i32
      %add3A_153 = arith.addi %mul3A_117, %add3A_152 : i32
      %swap3A_154 = arith.index_cast %select_n3A_99 : i32 to index
      %swap3A_155 = arith.index_cast %add3A_153 : i32 to index
      %swap3A_156 = tpu.vector_load %arg7[%swap3A_154, %swap3A_155] {strides = array<i32>} : memref<32x1024xf32, #tpu.memory_space<vmem>>, vector<16xf32>,
      tpu.vector_store %arg7[%swap3A_154, %swap3A_155], %broadcast_in_dim3A_44 {strides = array<i32>} : memref<32x1024xf32, #tpu.memory_space<vmem>>, vector<16xf32>,
    }
    %scan3A_49 = arith.constant 256 : i32
    %dma_wait3A = arith.constant 0 : i32
    %dma_wait3A_50 = tpu.memref_slice %arg2[%dma_wait3A, %mul3A_20] : memref<50x1024xi32, #tpu.memory_space<hbm>> -> memref<50x128xi32, #tpu.memory_space<hbm>>
    %dma_wait3A_51 = arith.constant 0 : i32
    %dma_wait3A_52 = tpu.memref_slice %arg2[%dma_wait3A_51, %mul3A_20] : memref<50x1024xi32, #tpu.memory_space<hbm>> -> memref<50x128xi32, #tpu.memory_space<hbm>>
    tpu.wait_dma2 semaphore(%arg8 : memref<!tpu.dma_semaphore, #tpu.memory_space<semaphore_mem>>) src(%dma_wait3A_52 : memref<50x128xi32, #tpu.memory_space<hbm>>) dst(%arg5 : memref<50x128xi32, #tpu.memory_space<vmem>>)
    %dma_wait3A_53 = arith.constant 0 : i32
    %dma_wait3A_54 = tpu.memref_slice %arg3[%dma_wait3A_53, %mul3A_20] : memref<50x1024xf32, #tpu.memory_space<hbm>> -> memref<50x128xf32, #tpu.memory_space<hbm>>
    %dma_wait3A_55 = arith.constant 0 : i32
    %dma_wait3A_56 = tpu.memref_slice %arg3[%dma_wait3A_55, %mul3A_20] : memref<50x1024xf32, #tpu.memory_space<hbm>> -> memref<50x128xf32, #tpu.memory_space<hbm>>
    tpu.wait_dma2 semaphore(%arg8 : memref<!tpu.dma_semaphore, #tpu.memory_space<semaphore_mem>>) src(%dma_wait3A_56 : memref<50x128xf32, #tpu.memory_space<hbm>>) dst(%arg6 : memref<50x128xf32, #tpu.memory_space<vmem>>)
    %iota3A = tpu.iota {dimensions = array<i32: 0>} : vector<16xi32>
    %add3A_57 = arith.constant 0 : i32
    %add3A_58 = vector.broadcast %add3A_57 : i32 to vector<16xi32>
    %add3A_59 = arith.addi %iota3A, %add3A_58 : vector<16xi32>
    %scan3A_60 = arith.constant 0 : i32
    %scan3A_61 = arith.constant 0 : i32
    %scan3A_62 = arith.constant 50 : i32
    %scan3A_63 = arith.addi %scan3A_61, %scan3A_62 : i32
    %scan3A_64 = arith.constant 1 : i32
    scf.for %scan3A_75 = %scan3A_61 to %scan3A_63 step %scan3A_64  : i32 {
      %add3A_76 = arith.constant 0 : i32
      %add3A_77 = arith.addi %mul3A_36, %add3A_76 : i32
      %get3A = arith.index_cast %scan3A_75 : i32 to index
      %get3A_78 = arith.index_cast %add3A_77 : i32 to index
      %get3A_79 = tpu.vector_load %arg5[%get3A, %get3A_78] {strides = array<i32>} : memref<50x128xi32, #tpu.memory_space<vmem>>, vector<16xi32>,
      %add3A_80 = arith.constant 0 : i32
      %add3A_81 = arith.addi %mul3A_36, %add3A_80 : i32
      %get3A_82 = arith.index_cast %scan3A_75 : i32 to index
      %get3A_83 = arith.index_cast %add3A_81 : i32 to index
      %get3A_84 = tpu.vector_load %arg6[%get3A_82, %get3A_83] {strides = array<i32>} : memref<50x128xf32, #tpu.memory_space<vmem>>, vector<16xf32>,
      tpu.vector_store_idx %arg7[%add3A_59, %get3A_79], %get3A_84 {add = true} : memref<32x1024xf32, #tpu.memory_space<vmem>>[vector<16xi32>, vector<16xi32>], vector<16xf32>,
    }
    %scan3A_65 = arith.constant 50 : i32
    %add3A_66 = arith.constant 16 : i32
    %add3A_67 = vector.broadcast %add3A_66 : i32 to vector<16xi32>
    %add3A_68 = arith.addi %iota3A, %add3A_67 : vector<16xi32>
    %scan3A_69 = arith.constant 0 : i32
    %scan3A_70 = arith.constant 0 : i32
    %scan3A_71 = arith.constant 50 : i32
    %scan3A_72 = arith.addi %scan3A_70, %scan3A_71 : i32
    %scan3A_73 = arith.constant 1 : i32
    scf.for %scan3A_75 = %scan3A_70 to %scan3A_72 step %scan3A_73  : i32 {
      %add3A_76 = arith.constant 16 : i32
      %add3A_77 = arith.addi %mul3A_36, %add3A_76 : i32
      %get3A = arith.index_cast %scan3A_75 : i32 to index
      %get3A_78 = arith.index_cast %add3A_77 : i32 to index
      %get3A_79 = tpu.vector_load %arg5[%get3A, %get3A_78] {strides = array<i32>} : memref<50x128xi32, #tpu.memory_space<vmem>>, vector<16xi32>,
      %add3A_80 = arith.constant 16 : i32
      %add3A_81 = arith.addi %mul3A_36, %add3A_80 : i32
      %get3A_82 = arith.index_cast %scan3A_75 : i32 to index
      %get3A_83 = arith.index_cast %add3A_81 : i32 to index
      %get3A_84 = tpu.vector_load %arg6[%get3A_82, %get3A_83] {strides = array<i32>} : memref<50x128xf32, #tpu.memory_space<vmem>>, vector<16xf32>,
      tpu.vector_store_idx %arg7[%add3A_68, %get3A_79], %get3A_84 {add = true} : memref<32x1024xf32, #tpu.memory_space<vmem>>[vector<16xi32>, vector<16xi32>], vector<16xf32>,
    }
    %scan3A_74 = arith.constant 50 : i32
    "tpu.region"() ({
      %run_scoped3A = tpu.sem_alloc : memref<!tpu.dma_semaphore, #tpu.memory_space<semaphore_mem>>
      %dma_start3A_75 = arith.constant 0 : i32
      %dma_start3A_76 = tpu.memref_slice %arg4[%mul3A_2, %dma_start3A_75] : memref<1024x1024xf32, #tpu.memory_space<hbm>> -> memref<32x1024xf32, #tpu.memory_space<hbm>>
      %dma_start3A_77 = arith.constant 0 : i32
      %dma_start3A_78 = tpu.memref_slice %arg4[%mul3A_2, %dma_start3A_77] : memref<1024x1024xf32, #tpu.memory_space<hbm>> -> memref<32x1024xf32, #tpu.memory_space<hbm>>
      tpu.enqueue_dma source(%arg7 : memref<32x1024xf32, #tpu.memory_space<vmem>>) target(%dma_start3A_78 : memref<32x1024xf32, #tpu.memory_space<hbm>>) target_semaphore(%run_scoped3A : memref<!tpu.dma_semaphore, #tpu.memory_space<semaphore_mem>>)
      %dma_wait3A_79 = arith.constant 0 : i32
      %dma_wait3A_80 = tpu.memref_slice %arg4[%mul3A_2, %dma_wait3A_79] : memref<1024x1024xf32, #tpu.memory_space<hbm>> -> memref<32x1024xf32, #tpu.memory_space<hbm>>
      %dma_wait3A_81 = arith.constant 0 : i32
      %dma_wait3A_82 = tpu.memref_slice %arg4[%mul3A_2, %dma_wait3A_81] : memref<1024x1024xf32, #tpu.memory_space<hbm>> -> memref<32x1024xf32, #tpu.memory_space<hbm>>
      tpu.wait_dma2 semaphore(%run_scoped3A : memref<!tpu.dma_semaphore, #tpu.memory_space<semaphore_mem>>) src(%arg7 : memref<32x1024xf32, #tpu.memory_space<vmem>>) dst(%dma_wait3A_82 : memref<32x1024xf32, #tpu.memory_space<hbm>>)
      tpu.yield
    }) : () -> ()
    return
  }
}

module attributes {stable_mosaic.version = 14 : i64} {
  func.func @_tc_weights_body(%arg0: i32, %arg1: memref<50x64x256xf32, #tpu.memory_space<vmem>>, %arg2: memref<50x256xi32, #tpu.memory_space<vmem>>, %arg3: memref<49x256xf32, #tpu.memory_space<vmem>>, %arg4: memref<49x256xi32, #tpu.memory_space<vmem>>, %arg5: memref<64x64xf32, #tpu.memory_space<vmem>>, %arg6: memref<64x64xf32, #tpu.memory_space<vmem>>, %arg7: memref<1x64xf32, #tpu.memory_space<vmem>>, %arg8: memref<1x64xf32, #tpu.memory_space<vmem>>, %arg9: memref<1x64xf32, #tpu.memory_space<vmem>>, %arg10: memref<16xf32, #tpu.memory_space<smem>>, %arg11: memref<50x256xf32, #tpu.memory_space<vmem>>, %arg12: memref<50x256xf32, #tpu.memory_space<vmem>>) attributes {dimension_semantics = [#tpu.dimension_semantics<arbitrary>], iteration_bounds = array<i64: 4>, scalar_prefetch = 0 : i64, scratch_operands = 1 : i64, tpu.core_type = #tpu.core_type<tc>, window_params = [{transform_indices = @transform_0, window_bounds = array<i64: 50, 64, 256>}, {transform_indices = @transform_1, window_bounds = array<i64: 50, 256>}, {transform_indices = @transform_2, window_bounds = array<i64: 49, 256>}, {transform_indices = @transform_3, window_bounds = array<i64: 49, 256>}, {pipeline_mode = #tpu.pipeline_mode<synchronous>, transform_indices = @transform_4, window_bounds = array<i64: 64, 64>}, {pipeline_mode = #tpu.pipeline_mode<synchronous>, transform_indices = @transform_5, window_bounds = array<i64: 64, 64>}, {pipeline_mode = #tpu.pipeline_mode<synchronous>, transform_indices = @transform_6, window_bounds = array<i64: 1, 64>}, {pipeline_mode = #tpu.pipeline_mode<synchronous>, transform_indices = @transform_7, window_bounds = array<i64: 1, 64>}, {pipeline_mode = #tpu.pipeline_mode<synchronous>, transform_indices = @transform_8, window_bounds = array<i64: 1, 64>}, {transform_indices = @transform_9, window_bounds = array<i64: 16>}, {transform_indices = @transform_10, window_bounds = array<i64: 50, 256>}]} {
    %get3A = arith.constant 0 : index
    %get3A_0 = memref.load %arg10[%get3A] : memref<16xf32, #tpu.memory_space<smem>>
    %get3A_1 = arith.constant 1 : index
    %get3A_2 = memref.load %arg10[%get3A_1] : memref<16xf32, #tpu.memory_space<smem>>
    %get3A_3 = arith.constant 2 : index
    %get3A_4 = memref.load %arg10[%get3A_3] : memref<16xf32, #tpu.memory_space<smem>>
    %get3A_5 = arith.constant 3 : index
    %get3A_6 = memref.load %arg10[%get3A_5] : memref<16xf32, #tpu.memory_space<smem>>
    %get3A_7 = arith.constant 4 : index
    %get3A_8 = memref.load %arg10[%get3A_7] : memref<16xf32, #tpu.memory_space<smem>>
    %get3A_9 = arith.constant 5 : index
    %get3A_10 = memref.load %arg10[%get3A_9] : memref<16xf32, #tpu.memory_space<smem>>
    %get3A_11 = arith.constant 6 : index
    %get3A_12 = memref.load %arg10[%get3A_11] : memref<16xf32, #tpu.memory_space<smem>>
    %get3A_13 = arith.constant 7 : index
    %get3A_14 = memref.load %arg10[%get3A_13] : memref<16xf32, #tpu.memory_space<smem>>
    %get3A_15 = arith.constant 8 : index
    %get3A_16 = memref.load %arg10[%get3A_15] : memref<16xf32, #tpu.memory_space<smem>>
    %get3A_17 = arith.constant 9 : index
    %get3A_18 = memref.load %arg10[%get3A_17] : memref<16xf32, #tpu.memory_space<smem>>
    %get3A_19 = arith.constant 10 : index
    %get3A_20 = memref.load %arg10[%get3A_19] : memref<16xf32, #tpu.memory_space<smem>>
    %get3A_21 = arith.constant 11 : index
    %get3A_22 = memref.load %arg10[%get3A_21] : memref<16xf32, #tpu.memory_space<smem>>
    %get3A_23 = arith.constant 12 : index
    %get3A_24 = memref.load %arg10[%get3A_23] : memref<16xf32, #tpu.memory_space<smem>>
    %get3A_25 = arith.constant 13 : index
    %get3A_26 = memref.load %arg10[%get3A_25] : memref<16xf32, #tpu.memory_space<smem>>
    %get3A_27 = arith.constant 14 : index
    %get3A_28 = memref.load %arg10[%get3A_27] : memref<16xf32, #tpu.memory_space<smem>>
    %get3A_29 = arith.constant 15 : index
    %get3A_30 = memref.load %arg10[%get3A_29] : memref<16xf32, #tpu.memory_space<smem>>
    %get3A_31 = arith.constant 0 : index
    %get3A_32 = arith.constant 0 : index
    %get3A_33 = vector.load %arg5[%get3A_31, %get3A_32] : memref<64x64xf32, #tpu.memory_space<vmem>>, vector<64x64xf32>
    %get3A_34 = arith.constant 0 : index
    %get3A_35 = arith.constant 0 : index
    %get3A_36 = vector.load %arg7[%get3A_34, %get3A_35] : memref<1x64xf32, #tpu.memory_space<vmem>>, vector<1x64xf32>
    %get3A_37 = arith.constant 0 : index
    %get3A_38 = arith.constant 0 : index
    %get3A_39 = vector.load %arg8[%get3A_37, %get3A_38] : memref<1x64xf32, #tpu.memory_space<vmem>>, vector<1x64xf32>
    %get3A_40 = arith.constant 0 : index
    %get3A_41 = arith.constant 0 : index
    %get3A_42 = vector.load %arg9[%get3A_40, %get3A_41] : memref<1x64xf32, #tpu.memory_space<vmem>>, vector<1x64xf32>
    %add3A = arith.addf %get3A_39, %get3A_42 : vector<1x64xf32>
    %transpose3A = tpu.transpose %add3A, [1, 0] : vector<1x64xf32> -> vector<64x1xf32>
    %get3A_43 = arith.constant 0 : index
    %get3A_44 = arith.constant 0 : index
    %get3A_45 = vector.load %arg6[%get3A_43, %get3A_44] : memref<64x64xf32, #tpu.memory_space<vmem>>, vector<64x64xf32>
    %get3A_46 = arith.constant 0 : index
    %get3A_47 = arith.constant 0 : index
    %get3A_48 = arith.constant 0 : index
    %get3A_49 = vector.load %arg1[%get3A_46, %get3A_47, %get3A_48] : memref<50x64x256xf32, #tpu.memory_space<vmem>>, vector<1x64x256xf32>
    %get3A_50 = vector.shape_cast %get3A_49 : vector<1x64x256xf32> to vector<64x256xf32>
    %dot_general3A = arith.constant dense<0.000000e+00> : vector<64x256xf32>
    %dot_general3A_51 = tpu.matmul %get3A_45, %get3A_50, %dot_general3A {dimension_numbers = #tpu.dot_dimension_numbers<[1], [0], [0], [1], [0, 0, 1, 1], [], []>, transpose_lhs_hint = false} : vector<64x64xf32>, vector<64x256xf32>, vector<64x256xf32> -> vector<64x256xf32>
    %add3A_52 = vector.broadcast %transpose3A : vector<64x1xf32> to vector<64x256xf32>
    %add3A_53 = arith.addf %dot_general3A_51, %add3A_52 : vector<64x256xf32>
    %concatenate3A = tpu.concatenate %add3A_53, %add3A_53, %add3A_53, %add3A_53, %add3A_53, %add3A_53, %add3A_53, %add3A_53, %add3A_53, %add3A_53, %add3A_53, %add3A_53, %add3A_53, %add3A_53, %add3A_53, %add3A_53, %add3A_53, %add3A_53, %add3A_53, %add3A_53, %add3A_53, %add3A_53, %add3A_53, %add3A_53, %add3A_53, %add3A_53, %add3A_53, %add3A_53, %add3A_53, %add3A_53, %add3A_53, %add3A_53, %add3A_53, %add3A_53, %add3A_53, %add3A_53, %add3A_53, %add3A_53, %add3A_53, %add3A_53, %add3A_53, %add3A_53, %add3A_53, %add3A_53, %add3A_53, %add3A_53, %add3A_53, %add3A_53, %add3A_53, %add3A_53 in 1 : vector<64x256xf32>, vector<64x256xf32>, vector<64x256xf32>, vector<64x256xf32>, vector<64x256xf32>, vector<64x256xf32>, vector<64x256xf32>, vector<64x256xf32>, vector<64x256xf32>, vector<64x256xf32>, vector<64x256xf32>, vector<64x256xf32>, vector<64x256xf32>, vector<64x256xf32>, vector<64x256xf32>, vector<64x256xf32>, vector<64x256xf32>, vector<64x256xf32>, vector<64x256xf32>, vector<64x256xf32>, vector<64x256xf32>, vector<64x256xf32>, vector<64x256xf32>, vector<64x256xf32>, vector<64x256xf32>, vector<64x256xf32>, vector<64x256xf32>, vector<64x256xf32>, vector<64x256xf32>, vector<64x256xf32>, vector<64x256xf32>, vector<64x256xf32>, vector<64x256xf32>, vector<64x256xf32>, vector<64x256xf32>, vector<64x256xf32>, vector<64x256xf32>, vector<64x256xf32>, vector<64x256xf32>, vector<64x256xf32>, vector<64x256xf32>, vector<64x256xf32>, vector<64x256xf32>, vector<64x256xf32>, vector<64x256xf32>, vector<64x256xf32>, vector<64x256xf32>, vector<64x256xf32>, vector<64x256xf32>, vector<64x256xf32> -> vector<64x12800xf32>
    %get3A_54 = arith.constant 0 : index
    %get3A_55 = arith.constant 0 : index
    %get3A_56 = arith.constant 0 : index
    %get3A_57 = vector.load %arg1[%get3A_54, %get3A_55, %get3A_56] : memref<50x64x256xf32, #tpu.memory_space<vmem>>, vector<1x64x256xf32>
    %get3A_58 = vector.shape_cast %get3A_57 : vector<1x64x256xf32> to vector<64x256xf32>
    %get3A_59 = arith.constant 1 : index
    %get3A_60 = arith.constant 0 : index
    %get3A_61 = arith.constant 0 : index
    %get3A_62 = vector.load %arg1[%get3A_59, %get3A_60, %get3A_61] : memref<50x64x256xf32, #tpu.memory_space<vmem>>, vector<1x64x256xf32>
    %get3A_63 = vector.shape_cast %get3A_62 : vector<1x64x256xf32> to vector<64x256xf32>
    %get3A_64 = arith.constant 2 : index
    %get3A_65 = arith.constant 0 : index
    %get3A_66 = arith.constant 0 : index
    %get3A_67 = vector.load %arg1[%get3A_64, %get3A_65, %get3A_66] : memref<50x64x256xf32, #tpu.memory_space<vmem>>, vector<1x64x256xf32>
    %get3A_68 = vector.shape_cast %get3A_67 : vector<1x64x256xf32> to vector<64x256xf32>
    %get3A_69 = arith.constant 3 : index
    %get3A_70 = arith.constant 0 : index
    %get3A_71 = arith.constant 0 : index
    %get3A_72 = vector.load %arg1[%get3A_69, %get3A_70, %get3A_71] : memref<50x64x256xf32, #tpu.memory_space<vmem>>, vector<1x64x256xf32>
    %get3A_73 = vector.shape_cast %get3A_72 : vector<1x64x256xf32> to vector<64x256xf32>
    %get3A_74 = arith.constant 4 : index
    %get3A_75 = arith.constant 0 : index
    %get3A_76 = arith.constant 0 : index
    %get3A_77 = vector.load %arg1[%get3A_74, %get3A_75, %get3A_76] : memref<50x64x256xf32, #tpu.memory_space<vmem>>, vector<1x64x256xf32>
    %get3A_78 = vector.shape_cast %get3A_77 : vector<1x64x256xf32> to vector<64x256xf32>
    %get3A_79 = arith.constant 5 : index
    %get3A_80 = arith.constant 0 : index
    %get3A_81 = arith.constant 0 : index
    %get3A_82 = vector.load %arg1[%get3A_79, %get3A_80, %get3A_81] : memref<50x64x256xf32, #tpu.memory_space<vmem>>, vector<1x64x256xf32>
    %get3A_83 = vector.shape_cast %get3A_82 : vector<1x64x256xf32> to vector<64x256xf32>
    %get3A_84 = arith.constant 6 : index
    %get3A_85 = arith.constant 0 : index
    %get3A_86 = arith.constant 0 : index
    %get3A_87 = vector.load %arg1[%get3A_84, %get3A_85, %get3A_86] : memref<50x64x256xf32, #tpu.memory_space<vmem>>, vector<1x64x256xf32>
    %get3A_88 = vector.shape_cast %get3A_87 : vector<1x64x256xf32> to vector<64x256xf32>
    %get3A_89 = arith.constant 7 : index
    %get3A_90 = arith.constant 0 : index
    %get3A_91 = arith.constant 0 : index
    %get3A_92 = vector.load %arg1[%get3A_89, %get3A_90, %get3A_91] : memref<50x64x256xf32, #tpu.memory_space<vmem>>, vector<1x64x256xf32>
    %get3A_93 = vector.shape_cast %get3A_92 : vector<1x64x256xf32> to vector<64x256xf32>
    %get3A_94 = arith.constant 8 : index
    %get3A_95 = arith.constant 0 : index
    %get3A_96 = arith.constant 0 : index
    %get3A_97 = vector.load %arg1[%get3A_94, %get3A_95, %get3A_96] : memref<50x64x256xf32, #tpu.memory_space<vmem>>, vector<1x64x256xf32>
    %get3A_98 = vector.shape_cast %get3A_97 : vector<1x64x256xf32> to vector<64x256xf32>
    %get3A_99 = arith.constant 9 : index
    %get3A_100 = arith.constant 0 : index
    %get3A_101 = arith.constant 0 : index
    %get3A_102 = vector.load %arg1[%get3A_99, %get3A_100, %get3A_101] : memref<50x64x256xf32, #tpu.memory_space<vmem>>, vector<1x64x256xf32>
    %get3A_103 = vector.shape_cast %get3A_102 : vector<1x64x256xf32> to vector<64x256xf32>
    %get3A_104 = arith.constant 10 : index
    %get3A_105 = arith.constant 0 : index
    %get3A_106 = arith.constant 0 : index
    %get3A_107 = vector.load %arg1[%get3A_104, %get3A_105, %get3A_106] : memref<50x64x256xf32, #tpu.memory_space<vmem>>, vector<1x64x256xf32>
    %get3A_108 = vector.shape_cast %get3A_107 : vector<1x64x256xf32> to vector<64x256xf32>
    %get3A_109 = arith.constant 11 : index
    %get3A_110 = arith.constant 0 : index
    %get3A_111 = arith.constant 0 : index
    %get3A_112 = vector.load %arg1[%get3A_109, %get3A_110, %get3A_111] : memref<50x64x256xf32, #tpu.memory_space<vmem>>, vector<1x64x256xf32>
    %get3A_113 = vector.shape_cast %get3A_112 : vector<1x64x256xf32> to vector<64x256xf32>
    %get3A_114 = arith.constant 12 : index
    %get3A_115 = arith.constant 0 : index
    %get3A_116 = arith.constant 0 : index
    %get3A_117 = vector.load %arg1[%get3A_114, %get3A_115, %get3A_116] : memref<50x64x256xf32, #tpu.memory_space<vmem>>, vector<1x64x256xf32>
    %get3A_118 = vector.shape_cast %get3A_117 : vector<1x64x256xf32> to vector<64x256xf32>
    %get3A_119 = arith.constant 13 : index
    %get3A_120 = arith.constant 0 : index
    %get3A_121 = arith.constant 0 : index
    %get3A_122 = vector.load %arg1[%get3A_119, %get3A_120, %get3A_121] : memref<50x64x256xf32, #tpu.memory_space<vmem>>, vector<1x64x256xf32>
    %get3A_123 = vector.shape_cast %get3A_122 : vector<1x64x256xf32> to vector<64x256xf32>
    %get3A_124 = arith.constant 14 : index
    %get3A_125 = arith.constant 0 : index
    %get3A_126 = arith.constant 0 : index
    %get3A_127 = vector.load %arg1[%get3A_124, %get3A_125, %get3A_126] : memref<50x64x256xf32, #tpu.memory_space<vmem>>, vector<1x64x256xf32>
    %get3A_128 = vector.shape_cast %get3A_127 : vector<1x64x256xf32> to vector<64x256xf32>
    %get3A_129 = arith.constant 15 : index
    %get3A_130 = arith.constant 0 : index
    %get3A_131 = arith.constant 0 : index
    %get3A_132 = vector.load %arg1[%get3A_129, %get3A_130, %get3A_131] : memref<50x64x256xf32, #tpu.memory_space<vmem>>, vector<1x64x256xf32>
    %get3A_133 = vector.shape_cast %get3A_132 : vector<1x64x256xf32> to vector<64x256xf32>
    %get3A_134 = arith.constant 16 : index
    %get3A_135 = arith.constant 0 : index
    %get3A_136 = arith.constant 0 : index
    %get3A_137 = vector.load %arg1[%get3A_134, %get3A_135, %get3A_136] : memref<50x64x256xf32, #tpu.memory_space<vmem>>, vector<1x64x256xf32>
    %get3A_138 = vector.shape_cast %get3A_137 : vector<1x64x256xf32> to vector<64x256xf32>
    %get3A_139 = arith.constant 17 : index
    %get3A_140 = arith.constant 0 : index
    %get3A_141 = arith.constant 0 : index
    %get3A_142 = vector.load %arg1[%get3A_139, %get3A_140, %get3A_141] : memref<50x64x256xf32, #tpu.memory_space<vmem>>, vector<1x64x256xf32>
    %get3A_143 = vector.shape_cast %get3A_142 : vector<1x64x256xf32> to vector<64x256xf32>
    %get3A_144 = arith.constant 18 : index
    %get3A_145 = arith.constant 0 : index
    %get3A_146 = arith.constant 0 : index
    %get3A_147 = vector.load %arg1[%get3A_144, %get3A_145, %get3A_146] : memref<50x64x256xf32, #tpu.memory_space<vmem>>, vector<1x64x256xf32>
    %get3A_148 = vector.shape_cast %get3A_147 : vector<1x64x256xf32> to vector<64x256xf32>
    %get3A_149 = arith.constant 19 : index
    %get3A_150 = arith.constant 0 : index
    %get3A_151 = arith.constant 0 : index
    %get3A_152 = vector.load %arg1[%get3A_149, %get3A_150, %get3A_151] : memref<50x64x256xf32, #tpu.memory_space<vmem>>, vector<1x64x256xf32>
    %get3A_153 = vector.shape_cast %get3A_152 : vector<1x64x256xf32> to vector<64x256xf32>
    %get3A_154 = arith.constant 20 : index
    %get3A_155 = arith.constant 0 : index
    %get3A_156 = arith.constant 0 : index
    %get3A_157 = vector.load %arg1[%get3A_154, %get3A_155, %get3A_156] : memref<50x64x256xf32, #tpu.memory_space<vmem>>, vector<1x64x256xf32>
    %get3A_158 = vector.shape_cast %get3A_157 : vector<1x64x256xf32> to vector<64x256xf32>
    %get3A_159 = arith.constant 21 : index
    %get3A_160 = arith.constant 0 : index
    %get3A_161 = arith.constant 0 : index
    %get3A_162 = vector.load %arg1[%get3A_159, %get3A_160, %get3A_161] : memref<50x64x256xf32, #tpu.memory_space<vmem>>, vector<1x64x256xf32>
    %get3A_163 = vector.shape_cast %get3A_162 : vector<1x64x256xf32> to vector<64x256xf32>
    %get3A_164 = arith.constant 22 : index
    %get3A_165 = arith.constant 0 : index
    %get3A_166 = arith.constant 0 : index
    %get3A_167 = vector.load %arg1[%get3A_164, %get3A_165, %get3A_166] : memref<50x64x256xf32, #tpu.memory_space<vmem>>, vector<1x64x256xf32>
    %get3A_168 = vector.shape_cast %get3A_167 : vector<1x64x256xf32> to vector<64x256xf32>
    %get3A_169 = arith.constant 23 : index
    %get3A_170 = arith.constant 0 : index
    %get3A_171 = arith.constant 0 : index
    %get3A_172 = vector.load %arg1[%get3A_169, %get3A_170, %get3A_171] : memref<50x64x256xf32, #tpu.memory_space<vmem>>, vector<1x64x256xf32>
    %get3A_173 = vector.shape_cast %get3A_172 : vector<1x64x256xf32> to vector<64x256xf32>
    %get3A_174 = arith.constant 24 : index
    %get3A_175 = arith.constant 0 : index
    %get3A_176 = arith.constant 0 : index
    %get3A_177 = vector.load %arg1[%get3A_174, %get3A_175, %get3A_176] : memref<50x64x256xf32, #tpu.memory_space<vmem>>, vector<1x64x256xf32>
    %get3A_178 = vector.shape_cast %get3A_177 : vector<1x64x256xf32> to vector<64x256xf32>
    %get3A_179 = arith.constant 25 : index
    %get3A_180 = arith.constant 0 : index
    %get3A_181 = arith.constant 0 : index
    %get3A_182 = vector.load %arg1[%get3A_179, %get3A_180, %get3A_181] : memref<50x64x256xf32, #tpu.memory_space<vmem>>, vector<1x64x256xf32>
    %get3A_183 = vector.shape_cast %get3A_182 : vector<1x64x256xf32> to vector<64x256xf32>
    %get3A_184 = arith.constant 26 : index
    %get3A_185 = arith.constant 0 : index
    %get3A_186 = arith.constant 0 : index
    %get3A_187 = vector.load %arg1[%get3A_184, %get3A_185, %get3A_186] : memref<50x64x256xf32, #tpu.memory_space<vmem>>, vector<1x64x256xf32>
    %get3A_188 = vector.shape_cast %get3A_187 : vector<1x64x256xf32> to vector<64x256xf32>
    %get3A_189 = arith.constant 27 : index
    %get3A_190 = arith.constant 0 : index
    %get3A_191 = arith.constant 0 : index
    %get3A_192 = vector.load %arg1[%get3A_189, %get3A_190, %get3A_191] : memref<50x64x256xf32, #tpu.memory_space<vmem>>, vector<1x64x256xf32>
    %get3A_193 = vector.shape_cast %get3A_192 : vector<1x64x256xf32> to vector<64x256xf32>
    %get3A_194 = arith.constant 28 : index
    %get3A_195 = arith.constant 0 : index
    %get3A_196 = arith.constant 0 : index
    %get3A_197 = vector.load %arg1[%get3A_194, %get3A_195, %get3A_196] : memref<50x64x256xf32, #tpu.memory_space<vmem>>, vector<1x64x256xf32>
    %get3A_198 = vector.shape_cast %get3A_197 : vector<1x64x256xf32> to vector<64x256xf32>
    %get3A_199 = arith.constant 29 : index
    %get3A_200 = arith.constant 0 : index
    %get3A_201 = arith.constant 0 : index
    %get3A_202 = vector.load %arg1[%get3A_199, %get3A_200, %get3A_201] : memref<50x64x256xf32, #tpu.memory_space<vmem>>, vector<1x64x256xf32>
    %get3A_203 = vector.shape_cast %get3A_202 : vector<1x64x256xf32> to vector<64x256xf32>
    %get3A_204 = arith.constant 30 : index
    %get3A_205 = arith.constant 0 : index
    %get3A_206 = arith.constant 0 : index
    %get3A_207 = vector.load %arg1[%get3A_204, %get3A_205, %get3A_206] : memref<50x64x256xf32, #tpu.memory_space<vmem>>, vector<1x64x256xf32>
    %get3A_208 = vector.shape_cast %get3A_207 : vector<1x64x256xf32> to vector<64x256xf32>
    %get3A_209 = arith.constant 31 : index
    %get3A_210 = arith.constant 0 : index
    %get3A_211 = arith.constant 0 : index
    %get3A_212 = vector.load %arg1[%get3A_209, %get3A_210, %get3A_211] : memref<50x64x256xf32, #tpu.memory_space<vmem>>, vector<1x64x256xf32>
    %get3A_213 = vector.shape_cast %get3A_212 : vector<1x64x256xf32> to vector<64x256xf32>
    %get3A_214 = arith.constant 32 : index
    %get3A_215 = arith.constant 0 : index
    %get3A_216 = arith.constant 0 : index
    %get3A_217 = vector.load %arg1[%get3A_214, %get3A_215, %get3A_216] : memref<50x64x256xf32, #tpu.memory_space<vmem>>, vector<1x64x256xf32>
    %get3A_218 = vector.shape_cast %get3A_217 : vector<1x64x256xf32> to vector<64x256xf32>
    %get3A_219 = arith.constant 33 : index
    %get3A_220 = arith.constant 0 : index
    %get3A_221 = arith.constant 0 : index
    %get3A_222 = vector.load %arg1[%get3A_219, %get3A_220, %get3A_221] : memref<50x64x256xf32, #tpu.memory_space<vmem>>, vector<1x64x256xf32>
    %get3A_223 = vector.shape_cast %get3A_222 : vector<1x64x256xf32> to vector<64x256xf32>
    %get3A_224 = arith.constant 34 : index
    %get3A_225 = arith.constant 0 : index
    %get3A_226 = arith.constant 0 : index
    %get3A_227 = vector.load %arg1[%get3A_224, %get3A_225, %get3A_226] : memref<50x64x256xf32, #tpu.memory_space<vmem>>, vector<1x64x256xf32>
    %get3A_228 = vector.shape_cast %get3A_227 : vector<1x64x256xf32> to vector<64x256xf32>
    %get3A_229 = arith.constant 35 : index
    %get3A_230 = arith.constant 0 : index
    %get3A_231 = arith.constant 0 : index
    %get3A_232 = vector.load %arg1[%get3A_229, %get3A_230, %get3A_231] : memref<50x64x256xf32, #tpu.memory_space<vmem>>, vector<1x64x256xf32>
    %get3A_233 = vector.shape_cast %get3A_232 : vector<1x64x256xf32> to vector<64x256xf32>
    %get3A_234 = arith.constant 36 : index
    %get3A_235 = arith.constant 0 : index
    %get3A_236 = arith.constant 0 : index
    %get3A_237 = vector.load %arg1[%get3A_234, %get3A_235, %get3A_236] : memref<50x64x256xf32, #tpu.memory_space<vmem>>, vector<1x64x256xf32>
    %get3A_238 = vector.shape_cast %get3A_237 : vector<1x64x256xf32> to vector<64x256xf32>
    %get3A_239 = arith.constant 37 : index
    %get3A_240 = arith.constant 0 : index
    %get3A_241 = arith.constant 0 : index
    %get3A_242 = vector.load %arg1[%get3A_239, %get3A_240, %get3A_241] : memref<50x64x256xf32, #tpu.memory_space<vmem>>, vector<1x64x256xf32>
    %get3A_243 = vector.shape_cast %get3A_242 : vector<1x64x256xf32> to vector<64x256xf32>
    %get3A_244 = arith.constant 38 : index
    %get3A_245 = arith.constant 0 : index
    %get3A_246 = arith.constant 0 : index
    %get3A_247 = vector.load %arg1[%get3A_244, %get3A_245, %get3A_246] : memref<50x64x256xf32, #tpu.memory_space<vmem>>, vector<1x64x256xf32>
    %get3A_248 = vector.shape_cast %get3A_247 : vector<1x64x256xf32> to vector<64x256xf32>
    %get3A_249 = arith.constant 39 : index
    %get3A_250 = arith.constant 0 : index
    %get3A_251 = arith.constant 0 : index
    %get3A_252 = vector.load %arg1[%get3A_249, %get3A_250, %get3A_251] : memref<50x64x256xf32, #tpu.memory_space<vmem>>, vector<1x64x256xf32>
    %get3A_253 = vector.shape_cast %get3A_252 : vector<1x64x256xf32> to vector<64x256xf32>
    %get3A_254 = arith.constant 40 : index
    %get3A_255 = arith.constant 0 : index
    %get3A_256 = arith.constant 0 : index
    %get3A_257 = vector.load %arg1[%get3A_254, %get3A_255, %get3A_256] : memref<50x64x256xf32, #tpu.memory_space<vmem>>, vector<1x64x256xf32>
    %get3A_258 = vector.shape_cast %get3A_257 : vector<1x64x256xf32> to vector<64x256xf32>
    %get3A_259 = arith.constant 41 : index
    %get3A_260 = arith.constant 0 : index
    %get3A_261 = arith.constant 0 : index
    %get3A_262 = vector.load %arg1[%get3A_259, %get3A_260, %get3A_261] : memref<50x64x256xf32, #tpu.memory_space<vmem>>, vector<1x64x256xf32>
    %get3A_263 = vector.shape_cast %get3A_262 : vector<1x64x256xf32> to vector<64x256xf32>
    %get3A_264 = arith.constant 42 : index
    %get3A_265 = arith.constant 0 : index
    %get3A_266 = arith.constant 0 : index
    %get3A_267 = vector.load %arg1[%get3A_264, %get3A_265, %get3A_266] : memref<50x64x256xf32, #tpu.memory_space<vmem>>, vector<1x64x256xf32>
    %get3A_268 = vector.shape_cast %get3A_267 : vector<1x64x256xf32> to vector<64x256xf32>
    %get3A_269 = arith.constant 43 : index
    %get3A_270 = arith.constant 0 : index
    %get3A_271 = arith.constant 0 : index
    %get3A_272 = vector.load %arg1[%get3A_269, %get3A_270, %get3A_271] : memref<50x64x256xf32, #tpu.memory_space<vmem>>, vector<1x64x256xf32>
    %get3A_273 = vector.shape_cast %get3A_272 : vector<1x64x256xf32> to vector<64x256xf32>
    %get3A_274 = arith.constant 44 : index
    %get3A_275 = arith.constant 0 : index
    %get3A_276 = arith.constant 0 : index
    %get3A_277 = vector.load %arg1[%get3A_274, %get3A_275, %get3A_276] : memref<50x64x256xf32, #tpu.memory_space<vmem>>, vector<1x64x256xf32>
    %get3A_278 = vector.shape_cast %get3A_277 : vector<1x64x256xf32> to vector<64x256xf32>
    %get3A_279 = arith.constant 45 : index
    %get3A_280 = arith.constant 0 : index
    %get3A_281 = arith.constant 0 : index
    %get3A_282 = vector.load %arg1[%get3A_279, %get3A_280, %get3A_281] : memref<50x64x256xf32, #tpu.memory_space<vmem>>, vector<1x64x256xf32>
    %get3A_283 = vector.shape_cast %get3A_282 : vector<1x64x256xf32> to vector<64x256xf32>
    %get3A_284 = arith.constant 46 : index
    %get3A_285 = arith.constant 0 : index
    %get3A_286 = arith.constant 0 : index
    %get3A_287 = vector.load %arg1[%get3A_284, %get3A_285, %get3A_286] : memref<50x64x256xf32, #tpu.memory_space<vmem>>, vector<1x64x256xf32>
    %get3A_288 = vector.shape_cast %get3A_287 : vector<1x64x256xf32> to vector<64x256xf32>
    %get3A_289 = arith.constant 47 : index
    %get3A_290 = arith.constant 0 : index
    %get3A_291 = arith.constant 0 : index
    %get3A_292 = vector.load %arg1[%get3A_289, %get3A_290, %get3A_291] : memref<50x64x256xf32, #tpu.memory_space<vmem>>, vector<1x64x256xf32>
    %get3A_293 = vector.shape_cast %get3A_292 : vector<1x64x256xf32> to vector<64x256xf32>
    %get3A_294 = arith.constant 48 : index
    %get3A_295 = arith.constant 0 : index
    %get3A_296 = arith.constant 0 : index
    %get3A_297 = vector.load %arg1[%get3A_294, %get3A_295, %get3A_296] : memref<50x64x256xf32, #tpu.memory_space<vmem>>, vector<1x64x256xf32>
    %get3A_298 = vector.shape_cast %get3A_297 : vector<1x64x256xf32> to vector<64x256xf32>
    %get3A_299 = arith.constant 49 : index
    %get3A_300 = arith.constant 0 : index
    %get3A_301 = arith.constant 0 : index
    %get3A_302 = vector.load %arg1[%get3A_299, %get3A_300, %get3A_301] : memref<50x64x256xf32, #tpu.memory_space<vmem>>, vector<1x64x256xf32>
    %get3A_303 = vector.shape_cast %get3A_302 : vector<1x64x256xf32> to vector<64x256xf32>
    %concatenate3A_304 = tpu.concatenate %get3A_58, %get3A_63, %get3A_68, %get3A_73, %get3A_78, %get3A_83, %get3A_88, %get3A_93, %get3A_98, %get3A_103, %get3A_108, %get3A_113, %get3A_118, %get3A_123, %get3A_128, %get3A_133, %get3A_138, %get3A_143, %get3A_148, %get3A_153, %get3A_158, %get3A_163, %get3A_168, %get3A_173, %get3A_178, %get3A_183, %get3A_188, %get3A_193, %get3A_198, %get3A_203, %get3A_208, %get3A_213, %get3A_218, %get3A_223, %get3A_228, %get3A_233, %get3A_238, %get3A_243, %get3A_248, %get3A_253, %get3A_258, %get3A_263, %get3A_268, %get3A_273, %get3A_278, %get3A_283, %get3A_288, %get3A_293, %get3A_298, %get3A_303 in 1 : vector<64x256xf32>, vector<64x256xf32>, vector<64x256xf32>, vector<64x256xf32>, vector<64x256xf32>, vector<64x256xf32>, vector<64x256xf32>, vector<64x256xf32>, vector<64x256xf32>, vector<64x256xf32>, vector<64x256xf32>, vector<64x256xf32>, vector<64x256xf32>, vector<64x256xf32>, vector<64x256xf32>, vector<64x256xf32>, vector<64x256xf32>, vector<64x256xf32>, vector<64x256xf32>, vector<64x256xf32>, vector<64x256xf32>, vector<64x256xf32>, vector<64x256xf32>, vector<64x256xf32>, vector<64x256xf32>, vector<64x256xf32>, vector<64x256xf32>, vector<64x256xf32>, vector<64x256xf32>, vector<64x256xf32>, vector<64x256xf32>, vector<64x256xf32>, vector<64x256xf32>, vector<64x256xf32>, vector<64x256xf32>, vector<64x256xf32>, vector<64x256xf32>, vector<64x256xf32>, vector<64x256xf32>, vector<64x256xf32>, vector<64x256xf32>, vector<64x256xf32>, vector<64x256xf32>, vector<64x256xf32>, vector<64x256xf32>, vector<64x256xf32>, vector<64x256xf32>, vector<64x256xf32>, vector<64x256xf32>, vector<64x256xf32> -> vector<64x12800xf32>
    %dot_general3A_305 = arith.constant dense<0.000000e+00> : vector<64x12800xf32>
    %dot_general3A_306 = tpu.matmul %get3A_33, %concatenate3A_304, %dot_general3A_305 {dimension_numbers = #tpu.dot_dimension_numbers<[1], [0], [0], [1], [0, 0, 1, 1], [], []>, transpose_lhs_hint = false} : vector<64x64xf32>, vector<64x12800xf32>, vector<64x12800xf32> -> vector<64x12800xf32>
    %add3A_307 = arith.addf %dot_general3A_306, %concatenate3A : vector<64x12800xf32>
    %tanh3A = math.tanh %add3A_307 : vector<64x12800xf32>
    %dot_general3A_308 = arith.constant dense<0.000000e+00> : vector<1x12800xf32>
    %dot_general3A_309 = tpu.matmul %get3A_36, %tanh3A, %dot_general3A_308 {dimension_numbers = #tpu.dot_dimension_numbers<[1], [0], [0], [1], [0, 0, 1, 1], [], []>, transpose_lhs_hint = false} : vector<1x64xf32>, vector<64x12800xf32>, vector<1x12800xf32> -> vector<1x12800xf32>
    %add3A_310 = vector.broadcast %get3A_30 : f32 to vector<1x12800xf32>
    %add3A_311 = arith.addf %dot_general3A_309, %add3A_310 : vector<1x12800xf32>
    %slice3A = vector.extract_strided_slice %add3A_311 {offsets = [0, 0], sizes = [1, 256], strides = [1, 1]} : vector<1x12800xf32> to vector<1x256xf32>
    %swap3A = arith.constant 0 : index
    %swap3A_312 = arith.constant 0 : index
    %swap3A_313 = vector.load %arg12[%swap3A, %swap3A_312] : memref<50x256xf32, #tpu.memory_space<vmem>>, vector<1x256xf32>
    tpu.vector_store %arg12[%swap3A, %swap3A_312], %slice3A {strides = array<i32>} : memref<50x256xf32, #tpu.memory_space<vmem>>, vector<1x256xf32>,
    %slice3A_314 = vector.extract_strided_slice %add3A_311 {offsets = [0, 256], sizes = [1, 256], strides = [1, 1]} : vector<1x12800xf32> to vector<1x256xf32>
    %swap3A_315 = arith.constant 1 : index
    %swap3A_316 = arith.constant 0 : index
    %swap3A_317 = vector.load %arg12[%swap3A_315, %swap3A_316] : memref<50x256xf32, #tpu.memory_space<vmem>>, vector<1x256xf32>
    tpu.vector_store %arg12[%swap3A_315, %swap3A_316], %slice3A_314 {strides = array<i32>} : memref<50x256xf32, #tpu.memory_space<vmem>>, vector<1x256xf32>,
    %slice3A_318 = vector.extract_strided_slice %add3A_311 {offsets = [0, 512], sizes = [1, 256], strides = [1, 1]} : vector<1x12800xf32> to vector<1x256xf32>
    %swap3A_319 = arith.constant 2 : index
    %swap3A_320 = arith.constant 0 : index
    %swap3A_321 = vector.load %arg12[%swap3A_319, %swap3A_320] : memref<50x256xf32, #tpu.memory_space<vmem>>, vector<1x256xf32>
    tpu.vector_store %arg12[%swap3A_319, %swap3A_320], %slice3A_318 {strides = array<i32>} : memref<50x256xf32, #tpu.memory_space<vmem>>, vector<1x256xf32>,
    %slice3A_322 = vector.extract_strided_slice %add3A_311 {offsets = [0, 768], sizes = [1, 256], strides = [1, 1]} : vector<1x12800xf32> to vector<1x256xf32>
    %swap3A_323 = arith.constant 3 : index
    %swap3A_324 = arith.constant 0 : index
    %swap3A_325 = vector.load %arg12[%swap3A_323, %swap3A_324] : memref<50x256xf32, #tpu.memory_space<vmem>>, vector<1x256xf32>
    tpu.vector_store %arg12[%swap3A_323, %swap3A_324], %slice3A_322 {strides = array<i32>} : memref<50x256xf32, #tpu.memory_space<vmem>>, vector<1x256xf32>,
    %slice3A_326 = vector.extract_strided_slice %add3A_311 {offsets = [0, 1024], sizes = [1, 256], strides = [1, 1]} : vector<1x12800xf32> to vector<1x256xf32>
    %swap3A_327 = arith.constant 4 : index
    %swap3A_328 = arith.constant 0 : index
    %swap3A_329 = vector.load %arg12[%swap3A_327, %swap3A_328] : memref<50x256xf32, #tpu.memory_space<vmem>>, vector<1x256xf32>
    tpu.vector_store %arg12[%swap3A_327, %swap3A_328], %slice3A_326 {strides = array<i32>} : memref<50x256xf32, #tpu.memory_space<vmem>>, vector<1x256xf32>,
    %slice3A_330 = vector.extract_strided_slice %add3A_311 {offsets = [0, 1280], sizes = [1, 256], strides = [1, 1]} : vector<1x12800xf32> to vector<1x256xf32>
    %swap3A_331 = arith.constant 5 : index
    %swap3A_332 = arith.constant 0 : index
    %swap3A_333 = vector.load %arg12[%swap3A_331, %swap3A_332] : memref<50x256xf32, #tpu.memory_space<vmem>>, vector<1x256xf32>
    tpu.vector_store %arg12[%swap3A_331, %swap3A_332], %slice3A_330 {strides = array<i32>} : memref<50x256xf32, #tpu.memory_space<vmem>>, vector<1x256xf32>,
    %slice3A_334 = vector.extract_strided_slice %add3A_311 {offsets = [0, 1536], sizes = [1, 256], strides = [1, 1]} : vector<1x12800xf32> to vector<1x256xf32>
    %swap3A_335 = arith.constant 6 : index
    %swap3A_336 = arith.constant 0 : index
    %swap3A_337 = vector.load %arg12[%swap3A_335, %swap3A_336] : memref<50x256xf32, #tpu.memory_space<vmem>>, vector<1x256xf32>
    tpu.vector_store %arg12[%swap3A_335, %swap3A_336], %slice3A_334 {strides = array<i32>} : memref<50x256xf32, #tpu.memory_space<vmem>>, vector<1x256xf32>,
    %slice3A_338 = vector.extract_strided_slice %add3A_311 {offsets = [0, 1792], sizes = [1, 256], strides = [1, 1]} : vector<1x12800xf32> to vector<1x256xf32>
    %swap3A_339 = arith.constant 7 : index
    %swap3A_340 = arith.constant 0 : index
    %swap3A_341 = vector.load %arg12[%swap3A_339, %swap3A_340] : memref<50x256xf32, #tpu.memory_space<vmem>>, vector<1x256xf32>
    tpu.vector_store %arg12[%swap3A_339, %swap3A_340], %slice3A_338 {strides = array<i32>} : memref<50x256xf32, #tpu.memory_space<vmem>>, vector<1x256xf32>,
    %slice3A_342 = vector.extract_strided_slice %add3A_311 {offsets = [0, 2048], sizes = [1, 256], strides = [1, 1]} : vector<1x12800xf32> to vector<1x256xf32>
    %swap3A_343 = arith.constant 8 : index
    %swap3A_344 = arith.constant 0 : index
    %swap3A_345 = vector.load %arg12[%swap3A_343, %swap3A_344] : memref<50x256xf32, #tpu.memory_space<vmem>>, vector<1x256xf32>
    tpu.vector_store %arg12[%swap3A_343, %swap3A_344], %slice3A_342 {strides = array<i32>} : memref<50x256xf32, #tpu.memory_space<vmem>>, vector<1x256xf32>,
    %slice3A_346 = vector.extract_strided_slice %add3A_311 {offsets = [0, 2304], sizes = [1, 256], strides = [1, 1]} : vector<1x12800xf32> to vector<1x256xf32>
    %swap3A_347 = arith.constant 9 : index
    %swap3A_348 = arith.constant 0 : index
    %swap3A_349 = vector.load %arg12[%swap3A_347, %swap3A_348] : memref<50x256xf32, #tpu.memory_space<vmem>>, vector<1x256xf32>
    tpu.vector_store %arg12[%swap3A_347, %swap3A_348], %slice3A_346 {strides = array<i32>} : memref<50x256xf32, #tpu.memory_space<vmem>>, vector<1x256xf32>,
    %slice3A_350 = vector.extract_strided_slice %add3A_311 {offsets = [0, 2560], sizes = [1, 256], strides = [1, 1]} : vector<1x12800xf32> to vector<1x256xf32>
    %swap3A_351 = arith.constant 10 : index
    %swap3A_352 = arith.constant 0 : index
    %swap3A_353 = vector.load %arg12[%swap3A_351, %swap3A_352] : memref<50x256xf32, #tpu.memory_space<vmem>>, vector<1x256xf32>
    tpu.vector_store %arg12[%swap3A_351, %swap3A_352], %slice3A_350 {strides = array<i32>} : memref<50x256xf32, #tpu.memory_space<vmem>>, vector<1x256xf32>,
    %slice3A_354 = vector.extract_strided_slice %add3A_311 {offsets = [0, 2816], sizes = [1, 256], strides = [1, 1]} : vector<1x12800xf32> to vector<1x256xf32>
    %swap3A_355 = arith.constant 11 : index
    %swap3A_356 = arith.constant 0 : index
    %swap3A_357 = vector.load %arg12[%swap3A_355, %swap3A_356] : memref<50x256xf32, #tpu.memory_space<vmem>>, vector<1x256xf32>
    tpu.vector_store %arg12[%swap3A_355, %swap3A_356], %slice3A_354 {strides = array<i32>} : memref<50x256xf32, #tpu.memory_space<vmem>>, vector<1x256xf32>,
    %slice3A_358 = vector.extract_strided_slice %add3A_311 {offsets = [0, 3072], sizes = [1, 256], strides = [1, 1]} : vector<1x12800xf32> to vector<1x256xf32>
    %swap3A_359 = arith.constant 12 : index
    %swap3A_360 = arith.constant 0 : index
    %swap3A_361 = vector.load %arg12[%swap3A_359, %swap3A_360] : memref<50x256xf32, #tpu.memory_space<vmem>>, vector<1x256xf32>
    tpu.vector_store %arg12[%swap3A_359, %swap3A_360], %slice3A_358 {strides = array<i32>} : memref<50x256xf32, #tpu.memory_space<vmem>>, vector<1x256xf32>,
    %slice3A_362 = vector.extract_strided_slice %add3A_311 {offsets = [0, 3328], sizes = [1, 256], strides = [1, 1]} : vector<1x12800xf32> to vector<1x256xf32>
    %swap3A_363 = arith.constant 13 : index
    %swap3A_364 = arith.constant 0 : index
    %swap3A_365 = vector.load %arg12[%swap3A_363, %swap3A_364] : memref<50x256xf32, #tpu.memory_space<vmem>>, vector<1x256xf32>
    tpu.vector_store %arg12[%swap3A_363, %swap3A_364], %slice3A_362 {strides = array<i32>} : memref<50x256xf32, #tpu.memory_space<vmem>>, vector<1x256xf32>,
    %slice3A_366 = vector.extract_strided_slice %add3A_311 {offsets = [0, 3584], sizes = [1, 256], strides = [1, 1]} : vector<1x12800xf32> to vector<1x256xf32>
    %swap3A_367 = arith.constant 14 : index
    %swap3A_368 = arith.constant 0 : index
    %swap3A_369 = vector.load %arg12[%swap3A_367, %swap3A_368] : memref<50x256xf32, #tpu.memory_space<vmem>>, vector<1x256xf32>
    tpu.vector_store %arg12[%swap3A_367, %swap3A_368], %slice3A_366 {strides = array<i32>} : memref<50x256xf32, #tpu.memory_space<vmem>>, vector<1x256xf32>,
    %slice3A_370 = vector.extract_strided_slice %add3A_311 {offsets = [0, 3840], sizes = [1, 256], strides = [1, 1]} : vector<1x12800xf32> to vector<1x256xf32>
    %swap3A_371 = arith.constant 15 : index
    %swap3A_372 = arith.constant 0 : index
    %swap3A_373 = vector.load %arg12[%swap3A_371, %swap3A_372] : memref<50x256xf32, #tpu.memory_space<vmem>>, vector<1x256xf32>
    tpu.vector_store %arg12[%swap3A_371, %swap3A_372], %slice3A_370 {strides = array<i32>} : memref<50x256xf32, #tpu.memory_space<vmem>>, vector<1x256xf32>,
    %slice3A_374 = vector.extract_strided_slice %add3A_311 {offsets = [0, 4096], sizes = [1, 256], strides = [1, 1]} : vector<1x12800xf32> to vector<1x256xf32>
    %swap3A_375 = arith.constant 16 : index
    %swap3A_376 = arith.constant 0 : index
    %swap3A_377 = vector.load %arg12[%swap3A_375, %swap3A_376] : memref<50x256xf32, #tpu.memory_space<vmem>>, vector<1x256xf32>
    tpu.vector_store %arg12[%swap3A_375, %swap3A_376], %slice3A_374 {strides = array<i32>} : memref<50x256xf32, #tpu.memory_space<vmem>>, vector<1x256xf32>,
    %slice3A_378 = vector.extract_strided_slice %add3A_311 {offsets = [0, 4352], sizes = [1, 256], strides = [1, 1]} : vector<1x12800xf32> to vector<1x256xf32>
    %swap3A_379 = arith.constant 17 : index
    %swap3A_380 = arith.constant 0 : index
    %swap3A_381 = vector.load %arg12[%swap3A_379, %swap3A_380] : memref<50x256xf32, #tpu.memory_space<vmem>>, vector<1x256xf32>
    tpu.vector_store %arg12[%swap3A_379, %swap3A_380], %slice3A_378 {strides = array<i32>} : memref<50x256xf32, #tpu.memory_space<vmem>>, vector<1x256xf32>,
    %slice3A_382 = vector.extract_strided_slice %add3A_311 {offsets = [0, 4608], sizes = [1, 256], strides = [1, 1]} : vector<1x12800xf32> to vector<1x256xf32>
    %swap3A_383 = arith.constant 18 : index
    %swap3A_384 = arith.constant 0 : index
    %swap3A_385 = vector.load %arg12[%swap3A_383, %swap3A_384] : memref<50x256xf32, #tpu.memory_space<vmem>>, vector<1x256xf32>
    tpu.vector_store %arg12[%swap3A_383, %swap3A_384], %slice3A_382 {strides = array<i32>} : memref<50x256xf32, #tpu.memory_space<vmem>>, vector<1x256xf32>,
    %slice3A_386 = vector.extract_strided_slice %add3A_311 {offsets = [0, 4864], sizes = [1, 256], strides = [1, 1]} : vector<1x12800xf32> to vector<1x256xf32>
    %swap3A_387 = arith.constant 19 : index
    %swap3A_388 = arith.constant 0 : index
    %swap3A_389 = vector.load %arg12[%swap3A_387, %swap3A_388] : memref<50x256xf32, #tpu.memory_space<vmem>>, vector<1x256xf32>
    tpu.vector_store %arg12[%swap3A_387, %swap3A_388], %slice3A_386 {strides = array<i32>} : memref<50x256xf32, #tpu.memory_space<vmem>>, vector<1x256xf32>,
    %slice3A_390 = vector.extract_strided_slice %add3A_311 {offsets = [0, 5120], sizes = [1, 256], strides = [1, 1]} : vector<1x12800xf32> to vector<1x256xf32>
    %swap3A_391 = arith.constant 20 : index
    %swap3A_392 = arith.constant 0 : index
    %swap3A_393 = vector.load %arg12[%swap3A_391, %swap3A_392] : memref<50x256xf32, #tpu.memory_space<vmem>>, vector<1x256xf32>
    tpu.vector_store %arg12[%swap3A_391, %swap3A_392], %slice3A_390 {strides = array<i32>} : memref<50x256xf32, #tpu.memory_space<vmem>>, vector<1x256xf32>,
    %slice3A_394 = vector.extract_strided_slice %add3A_311 {offsets = [0, 5376], sizes = [1, 256], strides = [1, 1]} : vector<1x12800xf32> to vector<1x256xf32>
    %swap3A_395 = arith.constant 21 : index
    %swap3A_396 = arith.constant 0 : index
    %swap3A_397 = vector.load %arg12[%swap3A_395, %swap3A_396] : memref<50x256xf32, #tpu.memory_space<vmem>>, vector<1x256xf32>
    tpu.vector_store %arg12[%swap3A_395, %swap3A_396], %slice3A_394 {strides = array<i32>} : memref<50x256xf32, #tpu.memory_space<vmem>>, vector<1x256xf32>,
    %slice3A_398 = vector.extract_strided_slice %add3A_311 {offsets = [0, 5632], sizes = [1, 256], strides = [1, 1]} : vector<1x12800xf32> to vector<1x256xf32>
    %swap3A_399 = arith.constant 22 : index
    %swap3A_400 = arith.constant 0 : index
    %swap3A_401 = vector.load %arg12[%swap3A_399, %swap3A_400] : memref<50x256xf32, #tpu.memory_space<vmem>>, vector<1x256xf32>
    tpu.vector_store %arg12[%swap3A_399, %swap3A_400], %slice3A_398 {strides = array<i32>} : memref<50x256xf32, #tpu.memory_space<vmem>>, vector<1x256xf32>,
    %slice3A_402 = vector.extract_strided_slice %add3A_311 {offsets = [0, 5888], sizes = [1, 256], strides = [1, 1]} : vector<1x12800xf32> to vector<1x256xf32>
    %swap3A_403 = arith.constant 23 : index
    %swap3A_404 = arith.constant 0 : index
    %swap3A_405 = vector.load %arg12[%swap3A_403, %swap3A_404] : memref<50x256xf32, #tpu.memory_space<vmem>>, vector<1x256xf32>
    tpu.vector_store %arg12[%swap3A_403, %swap3A_404], %slice3A_402 {strides = array<i32>} : memref<50x256xf32, #tpu.memory_space<vmem>>, vector<1x256xf32>,
    %slice3A_406 = vector.extract_strided_slice %add3A_311 {offsets = [0, 6144], sizes = [1, 256], strides = [1, 1]} : vector<1x12800xf32> to vector<1x256xf32>
    %swap3A_407 = arith.constant 24 : index
    %swap3A_408 = arith.constant 0 : index
    %swap3A_409 = vector.load %arg12[%swap3A_407, %swap3A_408] : memref<50x256xf32, #tpu.memory_space<vmem>>, vector<1x256xf32>
    tpu.vector_store %arg12[%swap3A_407, %swap3A_408], %slice3A_406 {strides = array<i32>} : memref<50x256xf32, #tpu.memory_space<vmem>>, vector<1x256xf32>,
    %slice3A_410 = vector.extract_strided_slice %add3A_311 {offsets = [0, 6400], sizes = [1, 256], strides = [1, 1]} : vector<1x12800xf32> to vector<1x256xf32>
    %swap3A_411 = arith.constant 25 : index
    %swap3A_412 = arith.constant 0 : index
    %swap3A_413 = vector.load %arg12[%swap3A_411, %swap3A_412] : memref<50x256xf32, #tpu.memory_space<vmem>>, vector<1x256xf32>
    tpu.vector_store %arg12[%swap3A_411, %swap3A_412], %slice3A_410 {strides = array<i32>} : memref<50x256xf32, #tpu.memory_space<vmem>>, vector<1x256xf32>,
    %slice3A_414 = vector.extract_strided_slice %add3A_311 {offsets = [0, 6656], sizes = [1, 256], strides = [1, 1]} : vector<1x12800xf32> to vector<1x256xf32>
    %swap3A_415 = arith.constant 26 : index
    %swap3A_416 = arith.constant 0 : index
    %swap3A_417 = vector.load %arg12[%swap3A_415, %swap3A_416] : memref<50x256xf32, #tpu.memory_space<vmem>>, vector<1x256xf32>
    tpu.vector_store %arg12[%swap3A_415, %swap3A_416], %slice3A_414 {strides = array<i32>} : memref<50x256xf32, #tpu.memory_space<vmem>>, vector<1x256xf32>,
    %slice3A_418 = vector.extract_strided_slice %add3A_311 {offsets = [0, 6912], sizes = [1, 256], strides = [1, 1]} : vector<1x12800xf32> to vector<1x256xf32>
    %swap3A_419 = arith.constant 27 : index
    %swap3A_420 = arith.constant 0 : index
    %swap3A_421 = vector.load %arg12[%swap3A_419, %swap3A_420] : memref<50x256xf32, #tpu.memory_space<vmem>>, vector<1x256xf32>
    tpu.vector_store %arg12[%swap3A_419, %swap3A_420], %slice3A_418 {strides = array<i32>} : memref<50x256xf32, #tpu.memory_space<vmem>>, vector<1x256xf32>,
    %slice3A_422 = vector.extract_strided_slice %add3A_311 {offsets = [0, 7168], sizes = [1, 256], strides = [1, 1]} : vector<1x12800xf32> to vector<1x256xf32>
    %swap3A_423 = arith.constant 28 : index
    %swap3A_424 = arith.constant 0 : index
    %swap3A_425 = vector.load %arg12[%swap3A_423, %swap3A_424] : memref<50x256xf32, #tpu.memory_space<vmem>>, vector<1x256xf32>
    tpu.vector_store %arg12[%swap3A_423, %swap3A_424], %slice3A_422 {strides = array<i32>} : memref<50x256xf32, #tpu.memory_space<vmem>>, vector<1x256xf32>,
    %slice3A_426 = vector.extract_strided_slice %add3A_311 {offsets = [0, 7424], sizes = [1, 256], strides = [1, 1]} : vector<1x12800xf32> to vector<1x256xf32>
    %swap3A_427 = arith.constant 29 : index
    %swap3A_428 = arith.constant 0 : index
    %swap3A_429 = vector.load %arg12[%swap3A_427, %swap3A_428] : memref<50x256xf32, #tpu.memory_space<vmem>>, vector<1x256xf32>
    tpu.vector_store %arg12[%swap3A_427, %swap3A_428], %slice3A_426 {strides = array<i32>} : memref<50x256xf32, #tpu.memory_space<vmem>>, vector<1x256xf32>,
    %slice3A_430 = vector.extract_strided_slice %add3A_311 {offsets = [0, 7680], sizes = [1, 256], strides = [1, 1]} : vector<1x12800xf32> to vector<1x256xf32>
    %swap3A_431 = arith.constant 30 : index
    %swap3A_432 = arith.constant 0 : index
    %swap3A_433 = vector.load %arg12[%swap3A_431, %swap3A_432] : memref<50x256xf32, #tpu.memory_space<vmem>>, vector<1x256xf32>
    tpu.vector_store %arg12[%swap3A_431, %swap3A_432], %slice3A_430 {strides = array<i32>} : memref<50x256xf32, #tpu.memory_space<vmem>>, vector<1x256xf32>,
    %slice3A_434 = vector.extract_strided_slice %add3A_311 {offsets = [0, 7936], sizes = [1, 256], strides = [1, 1]} : vector<1x12800xf32> to vector<1x256xf32>
    %swap3A_435 = arith.constant 31 : index
    %swap3A_436 = arith.constant 0 : index
    %swap3A_437 = vector.load %arg12[%swap3A_435, %swap3A_436] : memref<50x256xf32, #tpu.memory_space<vmem>>, vector<1x256xf32>
    tpu.vector_store %arg12[%swap3A_435, %swap3A_436], %slice3A_434 {strides = array<i32>} : memref<50x256xf32, #tpu.memory_space<vmem>>, vector<1x256xf32>,
    %slice3A_438 = vector.extract_strided_slice %add3A_311 {offsets = [0, 8192], sizes = [1, 256], strides = [1, 1]} : vector<1x12800xf32> to vector<1x256xf32>
    %swap3A_439 = arith.constant 32 : index
    %swap3A_440 = arith.constant 0 : index
    %swap3A_441 = vector.load %arg12[%swap3A_439, %swap3A_440] : memref<50x256xf32, #tpu.memory_space<vmem>>, vector<1x256xf32>
    tpu.vector_store %arg12[%swap3A_439, %swap3A_440], %slice3A_438 {strides = array<i32>} : memref<50x256xf32, #tpu.memory_space<vmem>>, vector<1x256xf32>,
    %slice3A_442 = vector.extract_strided_slice %add3A_311 {offsets = [0, 8448], sizes = [1, 256], strides = [1, 1]} : vector<1x12800xf32> to vector<1x256xf32>
    %swap3A_443 = arith.constant 33 : index
    %swap3A_444 = arith.constant 0 : index
    %swap3A_445 = vector.load %arg12[%swap3A_443, %swap3A_444] : memref<50x256xf32, #tpu.memory_space<vmem>>, vector<1x256xf32>
    tpu.vector_store %arg12[%swap3A_443, %swap3A_444], %slice3A_442 {strides = array<i32>} : memref<50x256xf32, #tpu.memory_space<vmem>>, vector<1x256xf32>,
    %slice3A_446 = vector.extract_strided_slice %add3A_311 {offsets = [0, 8704], sizes = [1, 256], strides = [1, 1]} : vector<1x12800xf32> to vector<1x256xf32>
    %swap3A_447 = arith.constant 34 : index
    %swap3A_448 = arith.constant 0 : index
    %swap3A_449 = vector.load %arg12[%swap3A_447, %swap3A_448] : memref<50x256xf32, #tpu.memory_space<vmem>>, vector<1x256xf32>
    tpu.vector_store %arg12[%swap3A_447, %swap3A_448], %slice3A_446 {strides = array<i32>} : memref<50x256xf32, #tpu.memory_space<vmem>>, vector<1x256xf32>,
    %slice3A_450 = vector.extract_strided_slice %add3A_311 {offsets = [0, 8960], sizes = [1, 256], strides = [1, 1]} : vector<1x12800xf32> to vector<1x256xf32>
    %swap3A_451 = arith.constant 35 : index
    %swap3A_452 = arith.constant 0 : index
    %swap3A_453 = vector.load %arg12[%swap3A_451, %swap3A_452] : memref<50x256xf32, #tpu.memory_space<vmem>>, vector<1x256xf32>
    tpu.vector_store %arg12[%swap3A_451, %swap3A_452], %slice3A_450 {strides = array<i32>} : memref<50x256xf32, #tpu.memory_space<vmem>>, vector<1x256xf32>,
    %slice3A_454 = vector.extract_strided_slice %add3A_311 {offsets = [0, 9216], sizes = [1, 256], strides = [1, 1]} : vector<1x12800xf32> to vector<1x256xf32>
    %swap3A_455 = arith.constant 36 : index
    %swap3A_456 = arith.constant 0 : index
    %swap3A_457 = vector.load %arg12[%swap3A_455, %swap3A_456] : memref<50x256xf32, #tpu.memory_space<vmem>>, vector<1x256xf32>
    tpu.vector_store %arg12[%swap3A_455, %swap3A_456], %slice3A_454 {strides = array<i32>} : memref<50x256xf32, #tpu.memory_space<vmem>>, vector<1x256xf32>,
    %slice3A_458 = vector.extract_strided_slice %add3A_311 {offsets = [0, 9472], sizes = [1, 256], strides = [1, 1]} : vector<1x12800xf32> to vector<1x256xf32>
    %swap3A_459 = arith.constant 37 : index
    %swap3A_460 = arith.constant 0 : index
    %swap3A_461 = vector.load %arg12[%swap3A_459, %swap3A_460] : memref<50x256xf32, #tpu.memory_space<vmem>>, vector<1x256xf32>
    tpu.vector_store %arg12[%swap3A_459, %swap3A_460], %slice3A_458 {strides = array<i32>} : memref<50x256xf32, #tpu.memory_space<vmem>>, vector<1x256xf32>,
    %slice3A_462 = vector.extract_strided_slice %add3A_311 {offsets = [0, 9728], sizes = [1, 256], strides = [1, 1]} : vector<1x12800xf32> to vector<1x256xf32>
    %swap3A_463 = arith.constant 38 : index
    %swap3A_464 = arith.constant 0 : index
    %swap3A_465 = vector.load %arg12[%swap3A_463, %swap3A_464] : memref<50x256xf32, #tpu.memory_space<vmem>>, vector<1x256xf32>
    tpu.vector_store %arg12[%swap3A_463, %swap3A_464], %slice3A_462 {strides = array<i32>} : memref<50x256xf32, #tpu.memory_space<vmem>>, vector<1x256xf32>,
    %slice3A_466 = vector.extract_strided_slice %add3A_311 {offsets = [0, 9984], sizes = [1, 256], strides = [1, 1]} : vector<1x12800xf32> to vector<1x256xf32>
    %swap3A_467 = arith.constant 39 : index
    %swap3A_468 = arith.constant 0 : index
    %swap3A_469 = vector.load %arg12[%swap3A_467, %swap3A_468] : memref<50x256xf32, #tpu.memory_space<vmem>>, vector<1x256xf32>
    tpu.vector_store %arg12[%swap3A_467, %swap3A_468], %slice3A_466 {strides = array<i32>} : memref<50x256xf32, #tpu.memory_space<vmem>>, vector<1x256xf32>,
    %slice3A_470 = vector.extract_strided_slice %add3A_311 {offsets = [0, 10240], sizes = [1, 256], strides = [1, 1]} : vector<1x12800xf32> to vector<1x256xf32>
    %swap3A_471 = arith.constant 40 : index
    %swap3A_472 = arith.constant 0 : index
    %swap3A_473 = vector.load %arg12[%swap3A_471, %swap3A_472] : memref<50x256xf32, #tpu.memory_space<vmem>>, vector<1x256xf32>
    tpu.vector_store %arg12[%swap3A_471, %swap3A_472], %slice3A_470 {strides = array<i32>} : memref<50x256xf32, #tpu.memory_space<vmem>>, vector<1x256xf32>,
    %slice3A_474 = vector.extract_strided_slice %add3A_311 {offsets = [0, 10496], sizes = [1, 256], strides = [1, 1]} : vector<1x12800xf32> to vector<1x256xf32>
    %swap3A_475 = arith.constant 41 : index
    %swap3A_476 = arith.constant 0 : index
    %swap3A_477 = vector.load %arg12[%swap3A_475, %swap3A_476] : memref<50x256xf32, #tpu.memory_space<vmem>>, vector<1x256xf32>
    tpu.vector_store %arg12[%swap3A_475, %swap3A_476], %slice3A_474 {strides = array<i32>} : memref<50x256xf32, #tpu.memory_space<vmem>>, vector<1x256xf32>,
    %slice3A_478 = vector.extract_strided_slice %add3A_311 {offsets = [0, 10752], sizes = [1, 256], strides = [1, 1]} : vector<1x12800xf32> to vector<1x256xf32>
    %swap3A_479 = arith.constant 42 : index
    %swap3A_480 = arith.constant 0 : index
    %swap3A_481 = vector.load %arg12[%swap3A_479, %swap3A_480] : memref<50x256xf32, #tpu.memory_space<vmem>>, vector<1x256xf32>
    tpu.vector_store %arg12[%swap3A_479, %swap3A_480], %slice3A_478 {strides = array<i32>} : memref<50x256xf32, #tpu.memory_space<vmem>>, vector<1x256xf32>,
    %slice3A_482 = vector.extract_strided_slice %add3A_311 {offsets = [0, 11008], sizes = [1, 256], strides = [1, 1]} : vector<1x12800xf32> to vector<1x256xf32>
    %swap3A_483 = arith.constant 43 : index
    %swap3A_484 = arith.constant 0 : index
    %swap3A_485 = vector.load %arg12[%swap3A_483, %swap3A_484] : memref<50x256xf32, #tpu.memory_space<vmem>>, vector<1x256xf32>
    tpu.vector_store %arg12[%swap3A_483, %swap3A_484], %slice3A_482 {strides = array<i32>} : memref<50x256xf32, #tpu.memory_space<vmem>>, vector<1x256xf32>,
    %slice3A_486 = vector.extract_strided_slice %add3A_311 {offsets = [0, 11264], sizes = [1, 256], strides = [1, 1]} : vector<1x12800xf32> to vector<1x256xf32>
    %swap3A_487 = arith.constant 44 : index
    %swap3A_488 = arith.constant 0 : index
    %swap3A_489 = vector.load %arg12[%swap3A_487, %swap3A_488] : memref<50x256xf32, #tpu.memory_space<vmem>>, vector<1x256xf32>
    tpu.vector_store %arg12[%swap3A_487, %swap3A_488], %slice3A_486 {strides = array<i32>} : memref<50x256xf32, #tpu.memory_space<vmem>>, vector<1x256xf32>,
    %slice3A_490 = vector.extract_strided_slice %add3A_311 {offsets = [0, 11520], sizes = [1, 256], strides = [1, 1]} : vector<1x12800xf32> to vector<1x256xf32>
    %swap3A_491 = arith.constant 45 : index
    %swap3A_492 = arith.constant 0 : index
    %swap3A_493 = vector.load %arg12[%swap3A_491, %swap3A_492] : memref<50x256xf32, #tpu.memory_space<vmem>>, vector<1x256xf32>
    tpu.vector_store %arg12[%swap3A_491, %swap3A_492], %slice3A_490 {strides = array<i32>} : memref<50x256xf32, #tpu.memory_space<vmem>>, vector<1x256xf32>,
    %slice3A_494 = vector.extract_strided_slice %add3A_311 {offsets = [0, 11776], sizes = [1, 256], strides = [1, 1]} : vector<1x12800xf32> to vector<1x256xf32>
    %swap3A_495 = arith.constant 46 : index
    %swap3A_496 = arith.constant 0 : index
    %swap3A_497 = vector.load %arg12[%swap3A_495, %swap3A_496] : memref<50x256xf32, #tpu.memory_space<vmem>>, vector<1x256xf32>
    tpu.vector_store %arg12[%swap3A_495, %swap3A_496], %slice3A_494 {strides = array<i32>} : memref<50x256xf32, #tpu.memory_space<vmem>>, vector<1x256xf32>,
    %slice3A_498 = vector.extract_strided_slice %add3A_311 {offsets = [0, 12032], sizes = [1, 256], strides = [1, 1]} : vector<1x12800xf32> to vector<1x256xf32>
    %swap3A_499 = arith.constant 47 : index
    %swap3A_500 = arith.constant 0 : index
    %swap3A_501 = vector.load %arg12[%swap3A_499, %swap3A_500] : memref<50x256xf32, #tpu.memory_space<vmem>>, vector<1x256xf32>
    tpu.vector_store %arg12[%swap3A_499, %swap3A_500], %slice3A_498 {strides = array<i32>} : memref<50x256xf32, #tpu.memory_space<vmem>>, vector<1x256xf32>,
    %slice3A_502 = vector.extract_strided_slice %add3A_311 {offsets = [0, 12288], sizes = [1, 256], strides = [1, 1]} : vector<1x12800xf32> to vector<1x256xf32>
    %swap3A_503 = arith.constant 48 : index
    %swap3A_504 = arith.constant 0 : index
    %swap3A_505 = vector.load %arg12[%swap3A_503, %swap3A_504] : memref<50x256xf32, #tpu.memory_space<vmem>>, vector<1x256xf32>
    tpu.vector_store %arg12[%swap3A_503, %swap3A_504], %slice3A_502 {strides = array<i32>} : memref<50x256xf32, #tpu.memory_space<vmem>>, vector<1x256xf32>,
    %slice3A_506 = vector.extract_strided_slice %add3A_311 {offsets = [0, 12544], sizes = [1, 256], strides = [1, 1]} : vector<1x12800xf32> to vector<1x256xf32>
    %swap3A_507 = arith.constant 49 : index
    %swap3A_508 = arith.constant 0 : index
    %swap3A_509 = vector.load %arg12[%swap3A_507, %swap3A_508] : memref<50x256xf32, #tpu.memory_space<vmem>>, vector<1x256xf32>
    tpu.vector_store %arg12[%swap3A_507, %swap3A_508], %slice3A_506 {strides = array<i32>} : memref<50x256xf32, #tpu.memory_space<vmem>>, vector<1x256xf32>,
    %get3A_510 = arith.constant 0 : index
    %get3A_511 = arith.constant 0 : index
    %get3A_512 = vector.load %arg12[%get3A_510, %get3A_511] : memref<50x256xf32, #tpu.memory_space<vmem>>, vector<50x256xf32>
    %get3A_513 = arith.constant 0 : index
    %get3A_514 = arith.constant 0 : index
    %get3A_515 = vector.load %arg2[%get3A_513, %get3A_514] : memref<50x256xi32, #tpu.memory_space<vmem>>, vector<50x256xi32>
    %ne3A = arith.constant 0 : i32
    %ne3A_516 = vector.broadcast %ne3A : i32 to vector<50x256xi32>
    %ne3A_517 = arith.cmpi ne, %get3A_515, %ne3A_516 : vector<50x256xi32>
    %ne3A_518 = arith.constant 1 : i32
    %ne3A_519 = vector.broadcast %ne3A_518 : i32 to vector<50x256xi32>
    %ne3A_520 = arith.cmpi ne, %get3A_515, %ne3A_519 : vector<50x256xi32>
    %and3A = arith.andi %ne3A_517, %ne3A_520 : vector<50x256xi1>
    %jit3A = arith.constant 0xFF800000 : f32
    %broadcast_in_dim3A = vector.broadcast %jit3A : f32 to vector<50x256xf32>
    %select_n3A = arith.select %and3A, %get3A_512, %broadcast_in_dim3A : vector<50x256xi1>, vector<50x256xf32>
    %reduce_max3A = arith.constant dense<0xFF800000> : vector<256xf32>
    %reduce_max3A_521 = vector.multi_reduction <maximumf>, %select_n3A, %reduce_max3A [0] : vector<50x256xf32> to vector<256xf32>
    %broadcast_in_dim3A_522 = vector.shape_cast %reduce_max3A_521 : vector<256xf32> to vector<1x256xf32>
    %sub3A = vector.broadcast %broadcast_in_dim3A_522 : vector<1x256xf32> to vector<50x256xf32>
    %sub3A_523 = arith.subf %select_n3A, %sub3A : vector<50x256xf32>
    %exp3A = math.exp %sub3A_523 : vector<50x256xf32>
    %jit3A_524 = arith.constant 0.000000e+00 : f32
    %broadcast_in_dim3A_525 = vector.broadcast %jit3A_524 : f32 to vector<50x256xf32>
    %select_n3A_526 = arith.select %and3A, %exp3A, %broadcast_in_dim3A_525 : vector<50x256xi1>, vector<50x256xf32>
    %reduce_sum3A = arith.constant dense<0.000000e+00> : vector<256xf32>
    %reduce_sum3A_527 = vector.multi_reduction <add>, %select_n3A_526, %reduce_sum3A [0] : vector<50x256xf32> to vector<256xf32>
    %broadcast_in_dim3A_528 = vector.shape_cast %reduce_sum3A_527 : vector<256xf32> to vector<1x256xf32>
    %div3A = vector.broadcast %broadcast_in_dim3A_528 : vector<1x256xf32> to vector<50x256xf32>
    %div3A_529 = arith.divf %select_n3A_526, %div3A : vector<50x256xf32>
    %get3A_530 = arith.constant 0 : index
    %get3A_531 = arith.constant 0 : index
    %get3A_532 = vector.load %arg3[%get3A_530, %get3A_531] : memref<49x256xf32, #tpu.memory_space<vmem>>, vector<49x256xf32>
    %get3A_533 = arith.constant 0 : index
    %get3A_534 = arith.constant 0 : index
    %get3A_535 = vector.load %arg4[%get3A_533, %get3A_534] : memref<49x256xi32, #tpu.memory_space<vmem>>, vector<49x256xi32>
    %ne3A_536 = arith.constant 0 : i32
    %ne3A_537 = vector.broadcast %ne3A_536 : i32 to vector<49x256xi32>
    %ne3A_538 = arith.cmpi ne, %get3A_535, %ne3A_537 : vector<49x256xi32>
    %jit3A_539 = arith.constant 1.800000e+02 : f32
    %broadcast_in_dim3A_540 = vector.broadcast %jit3A_539 : f32 to vector<49x256xf32>
    %select_n3A_541 = arith.select %ne3A_538, %broadcast_in_dim3A_540, %get3A_532 : vector<49x256xi1>, vector<49x256xf32>
    %ne3A_542 = arith.constant 1 : i32
    %ne3A_543 = vector.broadcast %ne3A_542 : i32 to vector<49x256xi32>
    %ne3A_544 = arith.cmpi ne, %get3A_535, %ne3A_543 : vector<49x256xi32>
    %jit3A_545 = arith.constant 1.800000e+02 : f32
    %broadcast_in_dim3A_546 = vector.broadcast %jit3A_545 : f32 to vector<49x256xf32>
    %select_n3A_547 = arith.select %ne3A_544, %broadcast_in_dim3A_546, %get3A_532 : vector<49x256xi1>, vector<49x256xf32>
    %ne3A_548 = arith.constant 2 : i32
    %ne3A_549 = vector.broadcast %ne3A_548 : i32 to vector<49x256xi32>
    %ne3A_550 = arith.cmpi ne, %get3A_535, %ne3A_549 : vector<49x256xi32>
    %jit3A_551 = arith.constant 1.800000e+02 : f32
    %broadcast_in_dim3A_552 = vector.broadcast %jit3A_551 : f32 to vector<49x256xf32>
    %select_n3A_553 = arith.select %ne3A_550, %broadcast_in_dim3A_552, %get3A_532 : vector<49x256xi1>, vector<49x256xf32>
    %div3A_554 = arith.constant 1.000000e+00 : f32
    %div3A_555 = arith.divf %div3A_554, %get3A_14 : f32
    %div3A_556 = arith.constant 1.000000e+00 : f32
    %div3A_557 = arith.divf %div3A_556, %get3A_18 : f32
    %div3A_558 = arith.constant 1.000000e+00 : f32
    %div3A_559 = arith.divf %div3A_558, %get3A_22 : f32
    %div3A_560 = arith.constant 1.000000e+00 : f32
    %div3A_561 = arith.divf %div3A_560, %get3A_26 : f32
    %mul3A = arith.mulf %get3A_0, %div3A_555 : f32
    %mul3A_562 = arith.constant 0.398942292 : f32
    %mul3A_563 = arith.mulf %mul3A, %mul3A_562 : f32
    %sub3A_564 = vector.broadcast %get3A_12 : f32 to vector<49x256xf32>
    %sub3A_565 = arith.subf %select_n3A_541, %sub3A_564 : vector<49x256xf32>
    %mul3A_566 = vector.broadcast %div3A_555 : f32 to vector<49x256xf32>
    %mul3A_567 = arith.mulf %sub3A_565, %mul3A_566 : vector<49x256xf32>
    %integer_pow3A = arith.mulf %mul3A_567, %mul3A_567 : vector<49x256xf32>
    %mul3A_568 = arith.constant -5.000000e-01 : f32
    %mul3A_569 = vector.broadcast %mul3A_568 : f32 to vector<49x256xf32>
    %mul3A_570 = arith.mulf %mul3A_569, %integer_pow3A : vector<49x256xf32>
    %exp3A_571 = math.exp %mul3A_570 : vector<49x256xf32>
    %mul3A_572 = vector.broadcast %mul3A_563 : f32 to vector<49x256xf32>
    %mul3A_573 = arith.mulf %mul3A_572, %exp3A_571 : vector<49x256xf32>
    %mul3A_574 = arith.mulf %get3A_2, %div3A_557 : f32
    %mul3A_575 = arith.constant 0.398942292 : f32
    %mul3A_576 = arith.mulf %mul3A_574, %mul3A_575 : f32
    %sub3A_577 = vector.broadcast %get3A_16 : f32 to vector<49x256xf32>
    %sub3A_578 = arith.subf %select_n3A_547, %sub3A_577 : vector<49x256xf32>
    %mul3A_579 = vector.broadcast %div3A_557 : f32 to vector<49x256xf32>
    %mul3A_580 = arith.mulf %sub3A_578, %mul3A_579 : vector<49x256xf32>
    %integer_pow3A_581 = arith.mulf %mul3A_580, %mul3A_580 : vector<49x256xf32>
    %mul3A_582 = arith.constant -5.000000e-01 : f32
    %mul3A_583 = vector.broadcast %mul3A_582 : f32 to vector<49x256xf32>
    %mul3A_584 = arith.mulf %mul3A_583, %integer_pow3A_581 : vector<49x256xf32>
    %exp3A_585 = math.exp %mul3A_584 : vector<49x256xf32>
    %mul3A_586 = vector.broadcast %mul3A_576 : f32 to vector<49x256xf32>
    %mul3A_587 = arith.mulf %mul3A_586, %exp3A_585 : vector<49x256xf32>
    %add3A_588 = arith.addf %mul3A_573, %mul3A_587 : vector<49x256xf32>
    %mul3A_589 = arith.mulf %get3A_4, %div3A_559 : f32
    %mul3A_590 = arith.constant 0.398942292 : f32
    %mul3A_591 = arith.mulf %mul3A_589, %mul3A_590 : f32
    %sub3A_592 = vector.broadcast %get3A_20 : f32 to vector<49x256xf32>
    %sub3A_593 = arith.subf %select_n3A_547, %sub3A_592 : vector<49x256xf32>
    %mul3A_594 = vector.broadcast %div3A_559 : f32 to vector<49x256xf32>
    %mul3A_595 = arith.mulf %sub3A_593, %mul3A_594 : vector<49x256xf32>
    %integer_pow3A_596 = arith.mulf %mul3A_595, %mul3A_595 : vector<49x256xf32>
    %mul3A_597 = arith.constant -5.000000e-01 : f32
    %mul3A_598 = vector.broadcast %mul3A_597 : f32 to vector<49x256xf32>
    %mul3A_599 = arith.mulf %mul3A_598, %integer_pow3A_596 : vector<49x256xf32>
    %exp3A_600 = math.exp %mul3A_599 : vector<49x256xf32>
    %mul3A_601 = vector.broadcast %mul3A_591 : f32 to vector<49x256xf32>
    %mul3A_602 = arith.mulf %mul3A_601, %exp3A_600 : vector<49x256xf32>
    %add3A_603 = arith.addf %add3A_588, %mul3A_602 : vector<49x256xf32>
    %mul3A_604 = arith.mulf %get3A_6, %div3A_561 : f32
    %mul3A_605 = arith.constant 0.398942292 : f32
    %mul3A_606 = arith.mulf %mul3A_604, %mul3A_605 : f32
    %sub3A_607 = vector.broadcast %get3A_24 : f32 to vector<49x256xf32>
    %sub3A_608 = arith.subf %select_n3A_553, %sub3A_607 : vector<49x256xf32>
    %mul3A_609 = vector.broadcast %div3A_561 : f32 to vector<49x256xf32>
    %mul3A_610 = arith.mulf %sub3A_608, %mul3A_609 : vector<49x256xf32>
    %integer_pow3A_611 = arith.mulf %mul3A_610, %mul3A_610 : vector<49x256xf32>
    %mul3A_612 = arith.constant -5.000000e-01 : f32
    %mul3A_613 = vector.broadcast %mul3A_612 : f32 to vector<49x256xf32>
    %mul3A_614 = arith.mulf %mul3A_613, %integer_pow3A_611 : vector<49x256xf32>
    %exp3A_615 = math.exp %mul3A_614 : vector<49x256xf32>
    %mul3A_616 = vector.broadcast %mul3A_606 : f32 to vector<49x256xf32>
    %mul3A_617 = arith.mulf %mul3A_616, %exp3A_615 : vector<49x256xf32>
    %add3A_618 = arith.addf %add3A_603, %mul3A_617 : vector<49x256xf32>
    %log3A = math.log %select_n3A_553 : vector<49x256xf32>
    %mul3A_619 = vector.broadcast %get3A_28 : f32 to vector<49x256xf32>
    %mul3A_620 = arith.mulf %mul3A_619, %log3A : vector<49x256xf32>
    %exp3A_621 = math.exp %mul3A_620 : vector<49x256xf32>
    %mul3A_622 = vector.broadcast %get3A_8 : f32 to vector<49x256xf32>
    %mul3A_623 = arith.mulf %mul3A_622, %exp3A_621 : vector<49x256xf32>
    %add3A_624 = arith.addf %add3A_618, %mul3A_623 : vector<49x256xf32>
    %broadcast_in_dim3A_625 = arith.constant 0.000000e+00 : f32
    %broadcast_in_dim3A_626 = vector.broadcast %broadcast_in_dim3A_625 : f32 to vector<1x256xf32>
    %concatenate3A_627 = tpu.concatenate %broadcast_in_dim3A_626, %add3A_624 in 0 : vector<1x256xf32>, vector<49x256xf32> -> vector<50x256xf32>
    %sub3A_628 = arith.constant 1.000000e+00 : f32
    %sub3A_629 = arith.subf %sub3A_628, %get3A_10 : f32
    %mul3A_630 = vector.broadcast %sub3A_629 : f32 to vector<50x256xf32>
    %mul3A_631 = arith.mulf %mul3A_630, %div3A_529 : vector<50x256xf32>
    %mul3A_632 = vector.broadcast %get3A_10 : f32 to vector<50x256xf32>
    %mul3A_633 = arith.mulf %mul3A_632, %concatenate3A_627 : vector<50x256xf32>
    %add3A_634 = arith.addf %mul3A_631, %mul3A_633 : vector<50x256xf32>
    %swap3A_635 = arith.constant 0 : index
    %swap3A_636 = arith.constant 0 : index
    %swap3A_637 = vector.load %arg11[%swap3A_635, %swap3A_636] : memref<50x256xf32, #tpu.memory_space<vmem>>, vector<50x256xf32>
    tpu.vector_store %arg11[%swap3A_635, %swap3A_636], %add3A_634 {strides = array<i32>} : memref<50x256xf32, #tpu.memory_space<vmem>>, vector<50x256xf32>,
    return
  }
  func.func @transform_0(%arg0: i32) -> (i32, i32, i32) {
    %c0_i32 = arith.constant 0 : i32
    %c0_i32_0 = arith.constant 0 : i32
    %c0_i32_1 = arith.constant 0 : i32
    return %c0_i32, %c0_i32_0, %arg0 : i32, i32, i32
  }
  func.func @transform_1(%arg0: i32) -> (i32, i32) {
    %c0_i32 = arith.constant 0 : i32
    %c0_i32_0 = arith.constant 0 : i32
    return %c0_i32, %arg0 : i32, i32
  }
  func.func @transform_2(%arg0: i32) -> (i32, i32) {
    %c0_i32 = arith.constant 0 : i32
    %c0_i32_0 = arith.constant 0 : i32
    return %c0_i32, %arg0 : i32, i32
  }
  func.func @transform_3(%arg0: i32) -> (i32, i32) {
    %c0_i32 = arith.constant 0 : i32
    %c0_i32_0 = arith.constant 0 : i32
    return %c0_i32, %arg0 : i32, i32
  }
  func.func @transform_4(%arg0: i32) -> (i32, i32) {
    %c0_i32 = arith.constant 0 : i32
    %c0_i32_0 = arith.constant 0 : i32
    %c0_i32_1 = arith.constant 0 : i32
    return %c0_i32, %c0_i32_0 : i32, i32
  }
  func.func @transform_5(%arg0: i32) -> (i32, i32) {
    %c0_i32 = arith.constant 0 : i32
    %c0_i32_0 = arith.constant 0 : i32
    %c0_i32_1 = arith.constant 0 : i32
    return %c0_i32, %c0_i32_0 : i32, i32
  }
  func.func @transform_6(%arg0: i32) -> (i32, i32) {
    %c0_i32 = arith.constant 0 : i32
    %c0_i32_0 = arith.constant 0 : i32
    %c0_i32_1 = arith.constant 0 : i32
    return %c0_i32, %c0_i32_0 : i32, i32
  }
  func.func @transform_7(%arg0: i32) -> (i32, i32) {
    %c0_i32 = arith.constant 0 : i32
    %c0_i32_0 = arith.constant 0 : i32
    %c0_i32_1 = arith.constant 0 : i32
    return %c0_i32, %c0_i32_0 : i32, i32
  }
  func.func @transform_8(%arg0: i32) -> (i32, i32) {
    %c0_i32 = arith.constant 0 : i32
    %c0_i32_0 = arith.constant 0 : i32
    %c0_i32_1 = arith.constant 0 : i32
    return %c0_i32, %c0_i32_0 : i32, i32
  }
  func.func @transform_9(%arg0: i32) -> i32 {
    %c0_i32 = arith.constant 0 : i32
    %c0_i32_0 = arith.constant 0 : i32
    return %c0_i32 : i32
  }
  func.func @transform_10(%arg0: i32) -> (i32, i32) {
    %c0_i32 = arith.constant 0 : i32
    %c0_i32_0 = arith.constant 0 : i32
    return %c0_i32, %arg0 : i32, i32
  }
}

</mosaic_0001>

<sc_bundles>
// kernel: kernel.4.cloned.1.call-start
scs
__scs_entry_jumppad:
0x0: {  	(pc) =	sbr.rel $0x88, $3  }
0x1: {  	(tag) =	ssettag $0x0;
	lr =	simm.s32 $0x1  }
0x2: {  	[smem:$0x3F88] =	sst lr;
	_ =	strace $0xD0000000  }
0x3: {  	_ = 	snop  }
0x4: {  	_ = 	snop  }
0x5: {  	_ = 	snop  }
0x6: {  	_ = 	snop  }
0x7: {  	_ = 	snop  }
__scs_overlays_trampoline_lowered:
0x8: {  	[smem:$0x3F97] =	sst s0  }
0x9: {  	[smem:$0x3F98] =	sst s1  }
0xa: {  	[smem:$0x3F99] =	sst s2  }
0xb: {  	[smem:$0x3F9A] =	sst s3  }
0xc: {  	[smem:$0x3F9B] =	sst s4  }
0xd: {  	[smem:$0x3F9C] =	sst s5  }
0xe: {  	[smem:$0x3F9D] =	sst s6  }
0xf: {  	[smem:$0x3F9E] =	sst s7  }
0x10: {  	[smem:$0x3F9F] =	sst s8  }
0x11: {  	[smem:$0x3FA0] =	sst s9;
	s0 =	simm.s32 @!p0 $0x0  }
0x12: {  	s1 =	sld [smem:$0x3F86];
	s0 =	simm.s32 @p0 $0x1  }
0x13: {  	[smem:$0x3FA1] =	sst s0;
	s0 =	simm.s32 @!p1 $0x0  }
0x14: {  	s2 =	sld [smem:$0x3F85];
	s0 =	simm.s32 @p1 $0x1  }
0x15: {  	[smem:$0x3FA2] =	sst s0;
	s0 =	simm.s32 @!p2 $0x0  }
0x16: {  	s3 =	sld [smem:$0x3FDB];
	s0 =	simm.s32 @p2 $0x1  }
0x17: {  	s4 =	simm.s32 $0x1BF5;
	[smem:$0x3FA4] =	sst s0  }
0x18: {  	s0 =	sld [smem:$0x3F87];
	_ =	swait.ge [sflag:s4], $0x0  }
0x19: {  	s7 =	sld [smem:$0x3F88]  }
0x1a: {  	s8 =	sadd.s32 $0xFFFFE003, lr  }
0x1b: {  	s9 =	sadd.s32 $0xFFFFFEF7, lr;
	s5 =	simm.s32 $0xFFFFFFFF;
	p2 =	slt.u32 s8, $0xFFFFF086  }
0x1c: {  	p1 =	slt.u32 s9, $0xF7A;
	s5 =	simm.s32 @!p2 $0x0  }
0x1d: {  	s5 =	simm.s32 @p1 $0x1;
	p0 =	seq.s32 s7, s2  }
0x1e: {  	s7 =	smul.u32 @!p0 $0xF7A, s2;
	p2 =	seq.s32 @!p0 s5, $0x0  }
0x1f: {  	s9 =	smul.u32 $0xF7A, s1;
	s8 =	simm.s32 @!p0 $0x1BF5;
	p2 =	por !p2, p0  }
0x20: {  	[sflag:s8] =	ssyncset.s32 @!p0 $0xFFFFF086;
	s6 =	sadd.s32 @!p0 s3, s7;
	s7 =	simm.s32 @!p0 $0x108  }
0x21: {  	s3 =	sadd.s32 s3, s9;
	s6 =	sadd.s32 @!p0 $0x88, s6;
	s7 =	simm.s32 @p2 $0x1082  }
0x22: {  	[simem:s7], [sflag:s8] =	dma.local @!p0 [hbm:s6], $0xF7A  }
0x23: {  	s9 =	sor.u32 $0xD0000000, s2;
	s6 =	simm.s32 $0x108;
	_ =	swait.ge @!p0 [sflag:s8], $0x0  }
0x24: {  	s3 =	sadd.s32 $0x88, s3;
	s6 =	simm.s32 @!p1 $0x1082;
	[sflag:s4] =	ssyncset.s32 $0xFFFFF086  }
0x25: {  	[simem:s6], [sflag:s4] =	dma.local [hbm:s3], $0xF7A  }
0x26: {  	[smem:$0x3F88] =	sst s1;
	(tag) =	ssettag s2;
	_ =	strace s9  }
0x27: {  	s1 =	sld [smem:$0x3F98]  }
0x28: {  	s2 =	sld [smem:$0x3F99]  }
0x29: {  	s4 =	sld [smem:$0x3F9B]  }
0x2a: {  	p0 =	seq.s32 s5, $0x0;
	s5 =	sld [smem:$0x3F9C]  }
0x2b: {  	s6 =	sld [smem:$0x3F9D]  }
0x2c: {  	s7 =	sld [smem:$0x3F9E]  }
0x2d: {  	s3 =	simm.s32 $0x108;
	s8 =	sld [smem:$0x3F9F]  }
0x2e: {  	s3 =	simm.s32 @!p0 $0x1082;
	s9 =	sld [smem:$0x3FA0]  }
0x2f: {  	lr =	sadd.s32 s0, s3;
	s0 =	sld [smem:$0x3F97]  }
0x30: {  	s3 =	sld [smem:$0x3F9A]  }
0x31: {  	[smem:$0x3FA3] =	sst s10  }
0x32: {  	s10 =	sld [smem:$0x3FA1];
	_ =	sdelay $0x3  }
0x33: {  	p0 =	seq.s32 s10, $0x1;
	s10 =	sld [smem:$0x3FA3];
	_ =	sdelay $0x3  }
0x34: {  	[smem:$0x3FA3] =	sst s10  }
0x35: {  	s10 =	sld [smem:$0x3FA2];
	_ =	sdelay $0x3  }
0x36: {  	p1 =	seq.s32 s10, $0x1;
	s10 =	sld [smem:$0x3FA3];
	_ =	sdelay $0x3  }
0x37: {  	[smem:$0x3FA3] =	sst s10  }
0x38: {  	s10 =	sld [smem:$0x3FA4]  }
0x39: {  	_ = 	snop;
	(pc) =	sbr.ind lr, $3  }
0x3a: {  	_ = 	snop  }
0x3b: {  	_ = 	snop  }
0x3c: {  	p2 =	seq.s32 s10, $0x1;
	s10 =	sld [smem:$0x3FA3]  }
0x3d: {  	_ =	shalt  }
0x3e: {  	_ =	shalt  }
0x3f: {  	_ =	shalt  }
0x40: {  	_ =	shalt  }
0x41: {  	_ =	shalt  }
0x42: {  	_ =	shalt  }
0x43: {  	_ =	shalt  }
0x44: {  	_ =	shalt  }
0x45: {  	_ =	shalt  }
0x46: {  	_ =	shalt  }
0x47: {  	_ =	shalt  }
0x48: {  	_ =	shalt  }
0x49: {  	_ =	shalt  }
0x4a: {  	_ =	shalt  }
0x4b: {  	_ =	shalt  }
0x4c: {  	_ =	shalt  }
0x4d: {  	_ =	shalt  }
0x4e: {  	_ =	shalt  }
0x4f: {  	_ =	shalt  }
0x50: {  	_ =	shalt  }
0x51: {  	_ =	shalt  }
0x52: {  	_ =	shalt  }
0x53: {  	_ =	shalt  }
0x54: {  	_ =	shalt  }
0x55: {  	_ =	shalt  }
0x56: {  	_ =	shalt  }
0x57: {  	_ =	shalt  }
0x58: {  	_ =	shalt  }
0x59: {  	_ =	shalt  }
0x5a: {  	_ =	shalt  }
0x5b: {  	_ =	shalt  }
0x5c: {  	_ =	shalt  }
0x5d: {  	_ =	shalt  }
0x5e: {  	_ =	shalt  }
0x5f: {  	_ =	shalt  }
0x60: {  	_ =	shalt  }
0x61: {  	_ =	shalt  }
0x62: {  	_ =	shalt  }
0x63: {  	_ =	shalt  }
0x64: {  	_ =	shalt  }
0x65: {  	_ =	shalt  }
0x66: {  	_ =	shalt  }
0x67: {  	_ =	shalt  }
0x68: {  	_ =	shalt  }
0x69: {  	_ =	shalt  }
0x6a: {  	_ =	shalt  }
0x6b: {  	_ =	shalt  }
0x6c: {  	_ =	shalt  }
0x6d: {  	_ =	shalt  }
0x6e: {  	_ =	shalt  }
0x6f: {  	_ =	shalt  }
0x70: {  	_ =	shalt  }
0x71: {  	_ =	shalt  }
0x72: {  	_ =	shalt  }
0x73: {  	_ =	shalt  }
0x74: {  	_ =	shalt  }
0x75: {  	_ =	shalt  }
0x76: {  	_ =	shalt  }
0x77: {  	_ =	shalt  }
0x78: {  	_ =	shalt  }
0x79: {  	_ =	shalt  }
0x7a: {  	_ =	shalt  }
0x7b: {  	_ =	shalt  }
0x7c: {  	_ =	shalt  }
0x7d: {  	_ =	shalt  }
0x7e: {  	_ =	shalt  }
0x7f: {  	_ =	shalt  }
0x80: {  	_ =	shalt  }
0x81: {  	_ =	shalt  }
0x82: {  	_ =	shalt  }
0x83: {  	_ =	shalt  }
0x84: {  	_ =	shalt  }
0x85: {  	_ =	shalt  }
0x86: {  	_ =	shalt  }
0x87: {  	_ =	shalt  }
.Lfunc_end0:
.L_simem_size_0:
called_computation_lowered:
.L_overlay_start_0:
0x88: {  	s2 =	sld [smem:$0x3FD9]  }
0x89: {  	s3 =	sld [smem:$0x3FFE];
	_ =	sdelay $0x1  }
0x8a: {  	s1 =	srdreg.scid  }
0x8b: {  	s0 =	sand.u32 $0x1, s1  }
0x8c: {  	s17 =	sshll.u32 s0, $0xA;
	s2 =	sadd.s32 s3, s2  }
0x8d: {  	s2 =	sadd.s32 s2, s17  }
0x8e: {  	[smem:$0x3FAF] =	sst s2  }
0x8f: {  	_ = 	snop  }
0x90: {  	s2 =	sld [smem:$0x3FC8]  }
0x91: {  	s18 =	sld [smem:$0x3FD0];
	(tm) =	ssettm $0x1  }
0x92: {  	s4 =	sld [smem:$0x3FFB];
	_ =	sdelay $0x3  }
0x93: {  	_ =	strace s4  }
0x94: {  	s4 =	sld [smem:$0x3FFC];
	_ =	sdelay $0x3  }
0x95: {  	_ =	strace s4  }
0x96: {  	s4 =	sld [smem:$0x3FFD];
	_ =	sdelay $0x3  }
0x97: {  	_ =	strace s4  }
0x98: {  	_ =	strace $0x8FFFFFFF  }
0x99: {  	s19 =	sld [smem:$0x3FDB];
	_ =	sdelay $0x1  }
0x9a: {  	s5 =	simm.s32 $_scs_section_size  }
0x9b: {  	s6 =	simm.s32 $_size__tile_overlayer_lowered;
	s7 =	simm.s32 $_tile_overlayer_lowered  }
0x9c: {  	s22 =	simm.s32 $0x1BFF;
	s21 =	sshll.u32 s7, $0x1;
	s4 =	sadd.s32 s5, s19  }
0x9d: {  	s8 =	simm.s32 $0x0;
	s20 =	sshll.u32 s6, $0x1;
	s6 =	sadd.s32 s21, s4  }
0x9e: {  	[timem:s8], [sflag:s22] =	dma.local [hbm:s6], s20  }
0x9f: {  	_ =	swait.ge [sflag:s22], s20  }
0xa0: {  	s5 =	ssub.s32 $0x0, s20;
	[sflag:s22] =	ssyncset.done $0x0  }
0xa1: {  	[sflag:s22] =	ssyncadd.s32 s5;
	_ =	sdelay $0x1  }
0xa2: {  	s23 =	simm.s32 $0x1B8B  }
0xa3: {  	_ =	swait.ge [sflag:s23], $0x1  }
0xa4: {  	[sflag:s23] =	ssyncset.done $0x0  }
0xa5: {  	s25 =	simm.s32 $0x1B8E;
	s24 =	sld [smem:$0x3FFE];
	[sflag:s23] =	ssyncadd.s32 $0xFFFFFFFF  }
0xa6: {  	s26 =	simm.s32 $execute0_lowered;
	[smem:$0x3FD2] =	sst s25  }
0xa7: {  	s6 =	sshll.u32 s26, $0x1;
	_ =	strace $0x80000046;
	[dreg:$0x1] =	wrdreg $0xFFFFFFFF  }
0xa8: {  	s28 =	simm.s32 $_size_execute0_lowered;
	s4 =	sadd.s32 s4, s6;
	[dreg:$0x0] =	wrdreg $0x0  }
0xa9: {  	s6 =	sshll.u32 s28, $0x1;
	[dreg:$0x2] =	wrdreg s4  }
0xaa: {  	[dreg:$0x3] =	wrdreg s6  }
0xab: {  	[dreg:$0x4] =	wrdreg $0xC0  }
0xac: {  	_ =	task [dreg:s8], $0x5FFFF  }
0xad: {  	[dreg:$0x1] =	wrdreg $0xFFFFFFFF  }
0xae: {  	[dreg:$0x0] =	wrdreg $0x60  }
0xaf: {  	[dreg:$0x2] =	wrdreg s2  }
0xb0: {  	[dreg:$0x3] =	wrdreg s18  }
0xb1: {  	[dreg:$0x4] =	wrdreg s24  }
0xb2: {  	[dreg:$0x5] =	wrdreg $0x9  }
0xb3: {  	_ =	task.clear_ibuf [dreg:s8], $0x6FFFF;
	_ =	strace $0x90000046  }
0xb4: {  	s29 =	simm.s32 $0x9;
	_ =	strace $0x80000048  }
0xb5: {  	_ =	swait.ge [sflag:s29], $0x1  }
0xb6: {  	[sflag:s29] =	ssyncadd.s32 $0xFFFFFFFF  }
0xb7: {  	_ =	strace $0x90000048  }
0xb8: {  	_ =	sfence  }
0xb9: {  	s30 =	sld [smem:$0x0];
	_ =	sdelay $0x2  }
0xba: {  	s31 =	sshll.u32 s1, $0xD;
	s1 =	sshrl.u32 s1, $0x2  }
0xbb: {  	s3 =	sand.u32 $0x4000, s31;
	s1 =	sadd.s32 s1, s30  }
0xbc: {  	s0 =	sor.u32 s3, s0;
	s1 =	sshll.u32 s1, $0x11  }
0xbd: {  	s0 =	sor.u32 s1, s0  }
0xbe: {  	s0 =	sadd.s32 $0x8F2B, s0  }
0xbf: {  	[sflag:s0] =	ssyncadd.remote.s32 $0x1  }
0xc0: {  	_ =	sfence.sel $0xFFFF  }
0xc1: {  	[dreg:$0x0] =	wrdreg $0xFFFFFFFF;
	(pc) =	sbr.abs _section_cstart, $3  }
0xc2: {  	[dreg:$0x1] =	wrdreg $0xFFFFFFFF  }
0xc3: {  	_ =	task.clear_ibuf [dreg:s8], $0x2FFFF;
	_ =	strace $0x9FFFFFFF  }
0xc4: {  	(tm) =	ssettm $0x7FFFFFFF  }
0xc5: {  	_ =	shalt  }
tec
execute0_lowered:
.L_overlay_start_1:
0x0: {  	(tag) =	ssettag $0x1  }
0x1: {  	v0 =	vimm.s32 $0x2380;
	vm0 =	vcmask $0x300  }
0x2: {  	vm1 =	vcmask $0x704;
	v1 =	vimm.s32 $0x6380;
	v0 =	vsel vm0, $0x0, v0  }
0x3: {  	vm2 =	vcmask $0xB08;
	v1 =	vsel vm0, $0x4000, v1;
	v0 =	vsel vm1, $0x80, v0  }
0x4: {  	vm4 =	vcmask $0xF0C;
	v1 =	vsel vm1, $0x4080, v1;
	v0 =	vsel vm2, $0x100, v0  }
0x5: {  	vm5 =	vcmask $0x1310;
	v1 =	vsel vm2, $0x4100, v1;
	v0 =	vsel vm4, $0x180, v0  }
0x6: {  	s3 =	rddreg [dreg:$0x0];
	vm6 =	vcmask $0x1714;
	v1 =	vsel vm4, $0x4180, v1;
	v0 =	vsel vm5, $0x200, v0  }
0x7: {  	s4 =	rddreg [dreg:$0x1];
	vm7 =	vcmask $0x1B18;
	v1 =	vsel vm5, $0x4200, v1;
	v0 =	vsel vm6, $0x280, v0  }
0x8: {  	s5 =	rddreg [dreg:$0x2];
	vm8 =	vcmask $0x1F1C;
	v1 =	vsel vm6, $0x4280, v1;
	v0 =	vsel vm7, $0x300, v0  }
0x9: {  	s0 =	rddreg [dreg:$0x3];
	s6 =	srdreg.scid;
	vm9 =	vcmask $0x2320;
	v1 =	vsel vm7, $0x4300, v1;
	v0 =	vsel vm8, $0x380, v0  }
0xa: {  	s2 =	simm.s32 $0x0;
	s1 =	stileid.u32;
	vm10 =	vcmask $0x2724;
	s10 =	simm.s32 $0x2000;
	v1 =	vsel vm8, $0x4380, v1;
	v0 =	vsel vm9, $0x2000, v0  }
0xb: {  	vm11 =	vcmask $0x2B28;
	s11 =	simm.s32 $0x1800;
	s12 =	simm.s32 $0x1C00;
	s13 =	simm.s32 $0x3400;
	v1 =	vsel vm9, $0x6000, v1;
	v0 =	vsel vm10, $0x2080, v0  }
0xc: {  	vm12 =	vcmask $0x2F2C;
	s14 =	simm.s32 $0x1;
	s6 =	sand.u32 $0x1, s6;
	s9 =	sshll.u32 s1, $0x6;
	v1 =	vsel vm10, $0x6080, v1;
	v0 =	vsel vm11, $0x2100, v0  }
0xd: {  	vm13 =	vcmask $0x3330;
	s8 =	sshll.u32 s6, $0xC;
	s29 =	ssub.s32 $0x2, s6;
	s6 =	sshll.u32 s6, $0x5;
	v1 =	vsel vm11, $0x6100, v1;
	v0 =	vsel vm12, $0x2180, v0  }
0xe: {  	vm14 =	vcmask $0x3734;
	s15 =	simm.s32 $0x3800;
	s31 =	sand.u32 $0x380, s9;
	s9 =	sor.u32 s6, s9;
	v1 =	vsel vm12, $0x6180, v1;
	v0 =	vsel vm13, $0x2200, v0  }
0xf: {  	vm15 =	vcmask $0x3B38;
	[smem:$0x7FF] =	sst s2;
	s7 =	sshll.u32 s1, $0xD;
	s17 =	sand.u32 $0x60, s9;
	v3 =	vsel vm13, $0x6200, v1;
	v2 =	vsel vm14, $0x2280, v0  }
0x10: {  	s16 =	simm.s32 $0x2;
	_ =	strace $0x80000047;
	s7 =	sor.u32 s8, s7;
	v1 =	vsel vm15, $0x2300, v2;
	v2 =	vsel vm14, $0x6280, v3;
	v3 =	vmov s17  }
0x11: {  	s30 =	sshrl.u32 s29, $0x1;
	s3 =	sadd.s32 s3, s31;
	s4 =	sadd.s32 s4, s31  }
0x12: {  	s7 =	sadd.s32 s7, s5;
	s8 =	ssub.s32 s29, s30;
	s5 =	sadd.s32 $0x1800, s3  }
0x13: {  	s6 =	sadd.s32 $0x1800, s4;
	s9 =	simm.s32 $0x400;
	s18 =	sor.u32 $0x1C00, s17  }
0x14: {  	s7 =	sadd.s32 $0x1800, s7;
	s8 =	smax.u32 s8, $0x1;
	v4 =	vmov s18;
	v0 =	vimm.f32 $0.0e+00;
	s17 =	simm.s32 $0x0;
	v2 =	vsel vm15, $0x6300, v2  }
.LBB2_1:
0x15: {  	[tilespmem:s2], [sflag:$0x1] =	stream.strided.gather [hbm4b:s3+s9], $0x1800, s10, s9, $0x38;
	[tilespmem:$0xB800] =	vst v63  }
0x16: {  	s18 =	sand.u32 $0x7000, s2;
	s19 =	simm.s32 $0x0  }
0x17: {  	s20 =	simm.s32 $0x0;
	s19 =	sand.u32 $0x6000, s19;
	s18 =	sshrl.u32 s18, $0x2  }
0x18: {  	[tilespmem:s11], [sflag:$0x1] =	stream.linear.gather [hbm4b:s5+s2], $0x100, $0x38;
	[tilespmem:$0xB800] =	vst v63  }
0x19: {  	s20 =	sand.u32 $0x380, s20;
	s18 =	sor.u32 s18, s19  }
0x1a: {  	[tilespmem:s12], [sflag:$0x1] =	stream.strided.gather [hbm4b:s4+s9], $0x1800, s10, s9, $0x38;
	[tilespmem:$0xB800] =	vst v63  }
0x1b: {  	s18 =	sor.u32 s20, s18  }
0x1c: {  	[tilespmem:s13], [sflag:$0x1] =	stream.linear.gather [hbm4b:s6+s2], $0x100, $0x38;
	[tilespmem:$0xB800] =	vst v63  }
0x1d: {  	[tilespmem:s18+$0x3870] =	vst v0  }
0x1e: {  	[tilespmem:s18+$0x3800] =	vst v0  }
0x1f: {  	[tilespmem:s18+$0x3810] =	vst v0  }
0x20: {  	s21 =	simm.s32 $0x10;
	s19 =	simm.s32 $0x1000;
	[tilespmem:s18+$0x3820] =	vst v0  }
0x21: {  	s23 =	simm.s32 $0x80;
	s22 =	sand.u32 $0x7000, s19;
	s20 =	simm.s32 $0x2;
	[tilespmem:s18+$0x3830] =	vst v0  }
.LBB2_2:
0x22: {  	p0 =	sne.s32 s20, $0xFF;
	s23 =	sand.u32 $0x6000, s23;
	s22 =	sshrl.u32 s22, $0x2;
	[tilespmem:s18+$0x3840] =	vst v0  }
0x23: {  	s21 =	sand.u32 $0x380, s21;
	s22 =	sor.u32 s22, s23;
	[tilespmem:s18+$0x3850] =	vst v0  }
0x24: {  	[tilespmem:s18+$0x3860] =	vst v0;
	s18 =	sor.u32 s21, s22  }
.Ltmp0:
0x25: {  	[tilespmem:s18+$0x3870] =	vst v0;
	(pc) =	sbr.rel @p0 .LBB2_2-.Ltmp0, $4  }
0x26: {  	[tilespmem:s18+$0x3800] =	vst v0  }
0x27: {  	[tilespmem:s18+$0x3810] =	vst v0  }
0x28: {  	s19 =	sadd.s32 $0x1000, s19;
	s21 =	sshll.u32 s20, $0x4;
	[tilespmem:s18+$0x3820] =	vst v0  }
0x29: {  	s23 =	sshll.u32 s20, $0x7;
	s22 =	sand.u32 $0x7000, s19;
	s20 =	sadd.s32 $0x1, s20;
	[tilespmem:s18+$0x3830] =	vst v0  }
0x2a: {  	s19 =	sand.u32 $0x6000, s23;
	s20 =	sshrl.u32 s22, $0x2;
	[tilespmem:s18+$0x3840] =	vst v0  }
0x2b: {  	s21 =	sand.u32 $0x380, s21;
	[tilespmem:s18+$0x3850] =	vst v0;
	s19 =	sor.u32 s20, s19  }
0x2c: {  	[tilespmem:s18+$0x3860] =	vst v0;
	s19 =	sor.u32 s21, s19  }
0x2d: {  	[tilespmem:s19+$0x3870] =	vst v0  }
0x2e: {  	[tilespmem:s19+$0x3800] =	vst v0  }
0x2f: {  	[tilespmem:s19+$0x3810] =	vst v0  }
0x30: {  	[tilespmem:s19+$0x3820] =	vst v0  }
0x31: {  	[tilespmem:s19+$0x3830] =	vst v0  }
0x32: {  	[tilespmem:s19+$0x3840] =	vst v0  }
0x33: {  	[tilespmem:s19+$0x3850] =	vst v0  }
0x34: {  	[tilespmem:s19+$0x3860] =	vst v0  }
0x35: {  	_ =	swait.ge [sflag:s14], $0x1900  }
0x36: {  	[sflag:s14] =	ssyncset.done $0x0  }
0x37: {  	[sflag:s14] =	ssyncadd.s32 $0xFFFFE700  }
0x38: {  	_ =	swait.ge [sflag:s14], $0x1900  }
0x39: {  	[sflag:s14] =	ssyncset.done $0x0  }
0x3a: {  	s18 =	simm.s32 $0x0;
	[sflag:s14] =	ssyncadd.s32 $0xFFFFE700  }
.LBB2_4:
0x3b: {  	s19 =	sshra.s32 s18, $0x2  }
0x3c: {  	v5 =	vld.idx.msk [tilespmem:v3+s19+$0x0 ss:$0x1], $0xffff;
	_ =	sdelay $0x4  }
0x3d: {  	v6 =	vshll.u32 v5, $0x3  }
0x3e: {  	v5 =	vand.u32 $0x7F, v5;
	v6 =	vand.u32 $0xFFFFFC00, v6  }
0x3f: {  	v5 =	vor.u32 v5, v6  }
0x40: {  	p0 =	sne.s32 s18, $0x6200;
	v6 =	vld.idx.msk [tilespmem:v4+s19+$0x0 ss:$0x1], $0xffff;
	v5 =	vadd.s32 v1, v5  }
.Ltmp1:
0x41: {  	_ = 	snop;
	(pc) =	sbr.rel @p0 .LBB2_4-.Ltmp1, $2  }
0x42: {  	_ =	sdelay $0x2  }
0x43: {  	s18 =	sadd.s32 $0x200, s18;
	[tilespmem:v5+s15+$0x0] =	vst.idx.add.f32.msk $0xffff, v6  }
0x44: {  	s19 =	simm.s32 $0x10;
	s18 =	simm.s32 $0x240  }
.LBB2_6:
0x45: {  	p0 =	sne.s32 s18, $0x6240;
	v5 =	vld.idx.msk [tilespmem:v3+s19+$0x0 ss:$0x1], $0xffff;
	_ =	sdelay $0x5  }
0x46: {  	v6 =	vshll.u32 v5, $0x3  }
0x47: {  	v5 =	vand.u32 $0x7F, v5;
	v6 =	vand.u32 $0xFFFFFC00, v6  }
0x48: {  	v5 =	vor.u32 v5, v6;
	v7 =	vld.idx.msk [tilespmem:v4+s19+$0x0 ss:$0x1], $0xffff  }
0x49: {  	v5 =	vadd.s32 v2, v5  }
.Ltmp2:
0x4a: {  	(pc) =	sbr.rel @p0 .LBB2_6-.Ltmp2, $2  }
0x4b: {  	_ =	sdelay $0x2  }
0x4c: {  	s19 =	sshra.s32 s18, $0x2;
	s18 =	sadd.s32 $0x200, s18;
	[tilespmem:v5+s15+$0x0] =	vst.idx.add.f32.msk $0xffff, v7  }
0x4d: {  	_ =	sdelay $0x3  }
0x4e: {  	v5 =	vld.idx.msk [tilespmem:v3+s19+$0x0 ss:$0x1], $0xffff;
	_ =	sdelay $0x4  }
0x4f: {  	v6 =	vshll.u32 v5, $0x3  }
0x50: {  	v5 =	vand.u32 $0x7F, v5;
	v6 =	vand.u32 $0xFFFFFC00, v6  }
0x51: {  	v5 =	vor.u32 v5, v6  }
0x52: {  	v6 =	vld.idx.msk [tilespmem:v4+s19+$0x0 ss:$0x1], $0xffff;
	v5 =	vadd.s32 v2, v5;
	_ =	sdelay $0x2  }
0x53: {  	s17 =	sadd.s32 $0x1, s17  }
0x54: {  	p0 =	sne.s32 s17, s8  }
.Ltmp3:
0x55: {  	[tilespmem:v5+s15+$0x0] =	vst.idx.add.f32.msk $0xffff, v6;
	(pc) =	sbr.rel @p0 .LBB2_1-.Ltmp3, $4  }
0x56: {  	[hbm4b:s7+s2] =	stream.linear.scatter [tilespmem:s15], [sflag:$0x2], $0x8000, $0x38;
	[tilespmem:$0xB800] =	vst v63  }
0x57: {  	_ =	swait.ge [sflag:s16], $0x8000  }
0x58: {  	[sflag:s16] =	ssyncset.done $0x0  }
0x59: {  	[sflag:s16] =	ssyncadd.s32 $0xFFFF8000  }
0x5a: {  	_ =	sfence.sel $0x180000  }
0x5b: {  	[bflag:$0x0] =	sbarrier.arrive $0xFFFF  }
0x5c: {  	p0 =	sne.s32 s1, $0x0;
	_ =	strace $0x90000047  }
0x5d: {  	s0 =	sadd.s32 @!p0 $0x100000, s0;
	[bflag:$0x2] =	sbarrier.arrive $0xFFFF  }
0x5e: {  	[sflag:s0] =	ssyncadd.tile.s32 @!p0 $0x1;
	_ =	shalt  }
.Lfunc_end2:
_tile_overlayer_lowered:
.L_overlay_start_2:
0x5f: {  	(tag) =	ssettag $0x2  }
0x60: {  	s0 =	rddreg [dreg:$0x0];
	s2 =	stileid.u32  }
0x61: {  	s1 =	rddreg [dreg:$0x1];
	p0 =	sne.s32 s2, $0x0  }
0x62: {  	s3 =	rddreg [dreg:$0x2];
	[bflag:$0x3] =	sbarrier.arrive $0xFFFF;
	s2 =	simm.s32 @!p0 $0x1C02  }
0x63: {  	[timem:s3], [sflag:s2] =	dma.local @!p0 [hbm:s0], s1  }
0x64: {  	s0 =	simm.s32 @!p0 $0x2  }
0x65: {  	_ =	swait.ge @!p0 [sflag:s0], s1  }
0x66: {  	s1 =	ssub.s32 @!p0 $0x0, s1;
	[sflag:s0] =	ssyncset.done @!p0 $0x0  }
0x67: {  	[sflag:s0] =	ssyncadd.s32 @!p0 s1  }
0x68: {  	[bflag:$0x3] =	sbarrier.arrive $0xFFFF  }
0x69: {  	_ =	shalt  }

</sc_bundles>
